<compile_context>
chip_gen: v7x
topology: tpu7x:2x2x1
jax: 0.10.2.dev20260603
libtpu: 0.0.44.dev20260713+nightly
codegen_flags: <defaults>
</compile_context>

<pallas_src>
import functools

import jax
import jax.numpy as jnp
from jax import lax
from jax.experimental import pallas as pl
from jax.experimental.pallas import tpu as pltpu
from jax.experimental.pallas import tpu_sc as plsc

_N_NODES = 10000
_N_EDGES = 320000
_D = 128
_N_GRAPHS = 64

_NC = 2
_NS = 16
_NW = _NC * _NS
_CHUNK = 120
_NCHUNK = 84
_EPW = _NCHUNK * _CHUNK
_NBUF = 2
_ZROWS = 640
_ACC_ROWS = _NS * _ZROWS


def _edge_agg_body(h_hbm, src_hbm, dst_hbm, out_hbm,
                   sidx, didx, rows, acc, isems, gsems):
    c = lax.axis_index("c")
    s = lax.axis_index("s")
    wid = c * _NS + s
    zb = s * _ZROWS

    def issue_idx(g, b):
        pltpu.async_copy(src_hbm.at[wid, g], sidx[b], isems[b])
        pltpu.async_copy(dst_hbm.at[wid, g], didx[b], isems[b])

    def wait_idx(g, b):
        pltpu.make_async_copy(src_hbm.at[wid, g], sidx[b], isems[b]).wait()
        pltpu.make_async_copy(dst_hbm.at[wid, g], didx[b], isems[b]).wait()

    def issue_gather(b):
        pltpu.async_copy(h_hbm.at[sidx[b]], rows[b], gsems[b])

    def wait_gather(b):
        pltpu.make_async_copy(h_hbm.at[sidx[b]], rows[b], gsems[b]).wait()

    def scatter(b):
        pltpu.sync_copy(rows[b], acc.at[didx[b]], add=True)

    for b in range(_NBUF):
        issue_idx(b, b)

    zvec = jnp.zeros((16,), jnp.float32)

    def zstore(i, carry):
        rows[0][i // 8, pl.ds((i % 8) * 16, 16)] = zvec
        return carry

    lax.fori_loop(0, _CHUNK * (_D // 16), zstore, 0)
    for k in range(_ZROWS // _CHUNK):
        pltpu.sync_copy(rows[0], acc.at[pl.ds(zb + k * _CHUNK, _CHUNK)])
    _REM = _ZROWS % _CHUNK
    if _REM:
        pltpu.sync_copy(rows[0].at[pl.ds(0, _REM)],
                        acc.at[pl.ds(zb + (_ZROWS // _CHUNK) * _CHUNK, _REM)])
    plsc.subcore_barrier()

    def super_body(i, carry):
        g0 = i * _NBUF
        for b in range(_NBUF):
            wait_idx(g0 + b, b)
            issue_gather(b)
        for b in range(_NBUF):
            wait_gather(b)
            scatter(b)
            issue_idx(g0 + _NBUF + b, b)
        return carry

    lax.fori_loop(0, _NCHUNK // _NBUF - 1, super_body, 0)

    g0 = _NCHUNK - _NBUF
    for b in range(_NBUF):
        wait_idx(g0 + b, b)
        issue_gather(b)
    for b in range(_NBUF):
        wait_gather(b)
        scatter(b)

    plsc.subcore_barrier()
    pltpu.sync_copy(acc.at[pl.ds(zb, _ZROWS)], out_hbm.at[c, pl.ds(zb, _ZROWS)])


_edge_agg = functools.partial(
    pl.kernel,
    out_type=jax.ShapeDtypeStruct((_NC, _ACC_ROWS, _D), jnp.float32),
    mesh=plsc.VectorSubcoreMesh(core_axis_name="c", subcore_axis_name="s"),
    scratch_types=[
        [pltpu.VMEM((_CHUNK,), jnp.int32) for _ in range(_NBUF)],
        [pltpu.VMEM((_CHUNK,), jnp.int32) for _ in range(_NBUF)],
        [pltpu.VMEM((_CHUNK, _D), jnp.float32) for _ in range(_NBUF)],
        pltpu.VMEM_SHARED((_ACC_ROWS, _D), jnp.float32),
        [pltpu.SemaphoreType.DMA for _ in range(_NBUF)],
        [pltpu.SemaphoreType.DMA for _ in range(_NBUF)],
    ],
)(_edge_agg_body)


def _mlp_bn_kernel(p_ref, w1_ref, b1_ref, w2_ref, b2_ref, g_ref, be_ref,
                   out_ref):
    pooled = p_ref[0, :_N_NODES, :] + p_ref[1, :_N_NODES, :]
    h = jnp.dot(pooled, w1_ref[...], preferred_element_type=jnp.float32)
    h = jnp.maximum(h + b1_ref[...], 0.0)
    z = jnp.dot(h, w2_ref[...], preferred_element_type=jnp.float32)
    z = z + b2_ref[...]
    mean = jnp.mean(z, axis=0, keepdims=True)
    var = jnp.mean((z - mean) * (z - mean), axis=0, keepdims=True)
    hn = (z - mean) * lax.rsqrt(var + 1e-5) * g_ref[...] + be_ref[...]
    out_ref[...] = jnp.maximum(hn, 0.0)


def _mlp_bn_pool_kernel(p_ref, gid_ref, w1_ref, b1_ref, w2_ref, b2_ref,
                        g_ref, be_ref, out_h_ref, out_p_ref):
    pooled = p_ref[0, :_N_NODES, :] + p_ref[1, :_N_NODES, :]
    h = jnp.dot(pooled, w1_ref[...], preferred_element_type=jnp.float32)
    h = jnp.maximum(h + b1_ref[...], 0.0)
    z = jnp.dot(h, w2_ref[...], preferred_element_type=jnp.float32)
    z = z + b2_ref[...]
    mean = jnp.mean(z, axis=0, keepdims=True)
    var = jnp.mean((z - mean) * (z - mean), axis=0, keepdims=True)
    hn = (z - mean) * lax.rsqrt(var + 1e-5) * g_ref[...] + be_ref[...]
    hr = jnp.maximum(hn, 0.0)
    out_h_ref[...] = hr
    oh = (lax.broadcasted_iota(jnp.int32, (_N_GRAPHS, _N_NODES), 0)
          == gid_ref[...]).astype(jnp.float32)
    out_p_ref[...] = jnp.dot(oh, hr, preferred_element_type=jnp.float32)


def _mlp_bn(p, w1, b1, w2, b2, gamma, beta):
    return pl.pallas_call(
        _mlp_bn_kernel,
        out_shape=jax.ShapeDtypeStruct((_N_NODES, _D), jnp.float32),
    )(p, w1, b1.reshape(1, _D), w2, b2.reshape(1, _D),
      gamma.reshape(1, _D), beta.reshape(1, _D))


def _mlp_bn_pool(p, gids, w1, b1, w2, b2, gamma, beta):
    return pl.pallas_call(
        _mlp_bn_pool_kernel,
        out_shape=(jax.ShapeDtypeStruct((_N_NODES, _D), jnp.float32),
                   jax.ShapeDtypeStruct((_N_GRAPHS, _D), jnp.float32)),
    )(p, gids.reshape(1, _N_NODES), w1, b1.reshape(1, _D), w2,
      b2.reshape(1, _D), gamma.reshape(1, _D), beta.reshape(1, _D))


def kernel(x, edge_index, graph_ids,
           W1_0, b1_0, W2_0, b2_0, gamma_0, beta_0,
           W1_1, b1_1, W2_1, b2_1, gamma_1, beta_1):
    pad = _NW * _EPW - _N_EDGES
    pad_iota = jnp.arange(pad, dtype=jnp.int32)
    src = jnp.concatenate(
        [edge_index[0], pad_iota % _N_NODES]
    ).reshape(_NW, _NCHUNK, _CHUNK)
    n_junk = _ACC_ROWS - _N_NODES
    dst = jnp.concatenate(
        [edge_index[1], _N_NODES + (pad_iota % n_junk)]
    ).reshape(_NW, _NCHUNK, _CHUNK)
    p0 = _edge_agg(x, src, dst)
    h1 = _mlp_bn(p0, W1_0, b1_0, W2_0, b2_0, gamma_0, beta_0)
    p1 = _edge_agg(h1, src, dst)
    h2, pooled_x = _mlp_bn_pool(p1, graph_ids, W1_1, b1_1, W2_1, b2_1,
                                gamma_1, beta_1)
    return (pooled_x, h2)

# --- scband reference (transcript-rebuilt; emitter-appended) ---
"""Pipeline reference for scband-graph-cnn-47811575939605 (READ-ONLY COPY).

The authoritative reference and input builder live on the scoring server;
editing this copy changes nothing except your own understanding.
"""

import jax, jax.numpy as jnp
import numpy as np

N_NODES = 10000
N_EDGES = 320000
D = 128
N_GRAPHS = 64
NUM_GIN_LAYERS = 2  # num_layers - 1


def setup_inputs(seed: int = 0) -> dict:
    key = jax.random.key(seed)
    ks = jax.random.split(key, 20)
    inp = {}
    inp["x"] = jax.random.normal(ks[0], (N_NODES, D), dtype=jnp.float32)
    inp["edge_index"] = jax.random.randint(ks[1], (2, N_EDGES), 0, N_NODES, dtype=jnp.int64 if jax.config.jax_enable_x64 else jnp.int32).astype(jnp.int32)
    inp["graph_ids"] = jnp.sort(jax.random.randint(ks[2], (N_NODES,), 0, N_GRAPHS).astype(jnp.int32))
    s = 1.0 / np.sqrt(D)
    ki = 3
    for l in range(NUM_GIN_LAYERS):
        inp[f"W1_{l}"] = jax.random.uniform(ks[ki], (D, D), dtype=jnp.float32, minval=-s, maxval=s); ki += 1
        inp[f"b1_{l}"] = jnp.zeros((D,), dtype=jnp.float32)
        inp[f"W2_{l}"] = jax.random.uniform(ks[ki], (D, D), dtype=jnp.float32, minval=-s, maxval=s); ki += 1
        inp[f"b2_{l}"] = jnp.zeros((D,), dtype=jnp.float32)
        inp[f"gamma_{l}"] = jnp.ones((D,), dtype=jnp.float32)
        inp[f"beta_{l}"] = jnp.zeros((D,), dtype=jnp.float32)
    return inp


def _mlp(h, W1, b1, W2, b2):
    h = jax.nn.relu(h @ W1 + b1)
    return h @ W2 + b2


def _batch_norm(h, gamma, beta, eps=1e-5):
    mean = jnp.mean(h, axis=0, keepdims=True)
    var = jnp.var(h, axis=0, keepdims=True)
    return (h - mean) / jnp.sqrt(var + eps) * gamma + beta


def reference(x, edge_index, graph_ids,
              W1_0, b1_0, W2_0, b2_0, gamma_0, beta_0,
              W1_1, b1_1, W2_1, b2_1, gamma_1, beta_1):
    src = edge_index[0]
    dst = edge_index[1]
    params = [(W1_0, b1_0, W2_0, b2_0, gamma_0, beta_0),
              (W1_1, b1_1, W2_1, b2_1, gamma_1, beta_1)]
    h = x
    for (W1, b1, W2, b2, gamma, beta) in params:
        # pooled = adj_block @ h  (sum aggregation over neighbors)
        pooled = jax.ops.segment_sum(h[src], dst, num_segments=N_NODES)
        pooled_rep = _mlp(pooled, W1, b1, W2, b2)
        h = jax.nn.relu(_batch_norm(pooled_rep, gamma, beta))
    x_nodes = h
    # pooled_x = graph_pool @ h (sparse graph-level sum pooling)
    pooled_x = jax.ops.segment_sum(h, graph_ids, num_segments=N_GRAPHS)
    return (pooled_x, x_nodes)

if __name__ == "__main__":
    import jax
    _d = setup_inputs()
    print(jax.jit(kernel)(*tuple(_d.values())))

</pallas_src>

<mosaic_0001>
#map = affine_map<(d0, d1) -> (0, 0)>
#map1 = affine_map<(d0, d1) -> (0, 0, 0)>
module attributes {stable_mosaic.version = 14 : i64} {
  func.func @_edge_agg_body(%arg0: i32, %arg1: i32, %arg2: memref<10000x128xf32, #tpu.memory_space<hbm>>, %arg3: memref<32x84x120xi32, #tpu.memory_space<hbm>>, %arg4: memref<32x84x120xi32, #tpu.memory_space<hbm>>, %arg5: memref<2x10240x128xf32, #tpu.memory_space<hbm>>, %arg6: memref<120xi32, #tpu.memory_space<vmem>>, %arg7: memref<120xi32, #tpu.memory_space<vmem>>, %arg8: memref<120xi32, #tpu.memory_space<vmem>>, %arg9: memref<120xi32, #tpu.memory_space<vmem>>, %arg10: memref<120x128xf32, #tpu.memory_space<vmem>>, %arg11: memref<120x128xf32, #tpu.memory_space<vmem>>, %arg12: memref<10240x128xf32, #tpu.memory_space<vmem_shared>>, %arg13: memref<!tpu.dma_semaphore, #tpu.memory_space<semaphore_mem>>, %arg14: memref<!tpu.dma_semaphore, #tpu.memory_space<semaphore_mem>>, %arg15: memref<!tpu.dma_semaphore, #tpu.memory_space<semaphore_mem>>, %arg16: memref<!tpu.dma_semaphore, #tpu.memory_space<semaphore_mem>>) attributes {dimension_semantics = [#tpu.dimension_semantics<core_parallel>, #tpu.dimension_semantics<subcore_parallel>], iteration_bounds = array<i64: 2, 16>, scalar_prefetch = 0 : i64, scratch_operands = 11 : i64, tpu.core_type = #tpu.core_type<sc_vector_subcore>, window_params = [{transform_indices = #map}, {transform_indices = #map1}, {transform_indices = #map1}, {transform_indices = #map1}]} {
    %mul3A = arith.constant 16 : i32
    %mul3A_0 = arith.muli %arg0, %mul3A : i32
    %add3A = arith.addi %mul3A_0, %arg1 : i32
    %mul3A_1 = arith.constant 640 : i32
    %mul3A_2 = arith.muli %arg1, %mul3A_1 : i32
    %dma_start3A = arith.constant 0 : i32
    %dma_start3A_3 = arith.constant 0 : i32
    %dma_start3A_4 = tpu.memref_slice %arg3[%add3A, %dma_start3A, %dma_start3A_3] : memref<32x84x120xi32, #tpu.memory_space<hbm>> -> memref<1x1x120xi32, #tpu.memory_space<hbm>>
    %dma_start3A_5 = tpu.memref_squeeze %dma_start3A_4 : memref<1x1x120xi32, #tpu.memory_space<hbm>> -> memref<120xi32, #tpu.memory_space<hbm>>
    %dma_start3A_6 = arith.constant 0 : i32
    %dma_start3A_7 = tpu.memref_slice %arg3[%add3A, %dma_start3A, %dma_start3A_6] : memref<32x84x120xi32, #tpu.memory_space<hbm>> -> memref<1x1x120xi32, #tpu.memory_space<hbm>>
    %dma_start3A_8 = tpu.memref_squeeze %dma_start3A_7 : memref<1x1x120xi32, #tpu.memory_space<hbm>> -> memref<120xi32, #tpu.memory_space<hbm>>
    tpu.enqueue_dma source(%dma_start3A_8 : memref<120xi32, #tpu.memory_space<hbm>>) target(%arg6 : memref<120xi32, #tpu.memory_space<vmem>>) target_semaphore(%arg13 : memref<!tpu.dma_semaphore, #tpu.memory_space<semaphore_mem>>)
    %dma_start3A_9 = arith.constant 0 : i32
    %dma_start3A_10 = arith.constant 0 : i32
    %dma_start3A_11 = tpu.memref_slice %arg4[%add3A, %dma_start3A_9, %dma_start3A_10] : memref<32x84x120xi32, #tpu.memory_space<hbm>> -> memref<1x1x120xi32, #tpu.memory_space<hbm>>
    %dma_start3A_12 = tpu.memref_squeeze %dma_start3A_11 : memref<1x1x120xi32, #tpu.memory_space<hbm>> -> memref<120xi32, #tpu.memory_space<hbm>>
    %dma_start3A_13 = arith.constant 0 : i32
    %dma_start3A_14 = tpu.memref_slice %arg4[%add3A, %dma_start3A_9, %dma_start3A_13] : memref<32x84x120xi32, #tpu.memory_space<hbm>> -> memref<1x1x120xi32, #tpu.memory_space<hbm>>
    %dma_start3A_15 = tpu.memref_squeeze %dma_start3A_14 : memref<1x1x120xi32, #tpu.memory_space<hbm>> -> memref<120xi32, #tpu.memory_space<hbm>>
    tpu.enqueue_dma source(%dma_start3A_15 : memref<120xi32, #tpu.memory_space<hbm>>) target(%arg8 : memref<120xi32, #tpu.memory_space<vmem>>) target_semaphore(%arg13 : memref<!tpu.dma_semaphore, #tpu.memory_space<semaphore_mem>>)
    %dma_start3A_16 = arith.constant 1 : i32
    %dma_start3A_17 = arith.constant 0 : i32
    %dma_start3A_18 = tpu.memref_slice %arg3[%add3A, %dma_start3A_16, %dma_start3A_17] : memref<32x84x120xi32, #tpu.memory_space<hbm>> -> memref<1x1x120xi32, #tpu.memory_space<hbm>>
    %dma_start3A_19 = tpu.memref_squeeze %dma_start3A_18 : memref<1x1x120xi32, #tpu.memory_space<hbm>> -> memref<120xi32, #tpu.memory_space<hbm>>
    %dma_start3A_20 = arith.constant 0 : i32
    %dma_start3A_21 = tpu.memref_slice %arg3[%add3A, %dma_start3A_16, %dma_start3A_20] : memref<32x84x120xi32, #tpu.memory_space<hbm>> -> memref<1x1x120xi32, #tpu.memory_space<hbm>>
    %dma_start3A_22 = tpu.memref_squeeze %dma_start3A_21 : memref<1x1x120xi32, #tpu.memory_space<hbm>> -> memref<120xi32, #tpu.memory_space<hbm>>
    tpu.enqueue_dma source(%dma_start3A_22 : memref<120xi32, #tpu.memory_space<hbm>>) target(%arg7 : memref<120xi32, #tpu.memory_space<vmem>>) target_semaphore(%arg14 : memref<!tpu.dma_semaphore, #tpu.memory_space<semaphore_mem>>)
    %dma_start3A_23 = arith.constant 1 : i32
    %dma_start3A_24 = arith.constant 0 : i32
    %dma_start3A_25 = tpu.memref_slice %arg4[%add3A, %dma_start3A_23, %dma_start3A_24] : memref<32x84x120xi32, #tpu.memory_space<hbm>> -> memref<1x1x120xi32, #tpu.memory_space<hbm>>
    %dma_start3A_26 = tpu.memref_squeeze %dma_start3A_25 : memref<1x1x120xi32, #tpu.memory_space<hbm>> -> memref<120xi32, #tpu.memory_space<hbm>>
    %dma_start3A_27 = arith.constant 0 : i32
    %dma_start3A_28 = tpu.memref_slice %arg4[%add3A, %dma_start3A_23, %dma_start3A_27] : memref<32x84x120xi32, #tpu.memory_space<hbm>> -> memref<1x1x120xi32, #tpu.memory_space<hbm>>
    %dma_start3A_29 = tpu.memref_squeeze %dma_start3A_28 : memref<1x1x120xi32, #tpu.memory_space<hbm>> -> memref<120xi32, #tpu.memory_space<hbm>>
    tpu.enqueue_dma source(%dma_start3A_29 : memref<120xi32, #tpu.memory_space<hbm>>) target(%arg9 : memref<120xi32, #tpu.memory_space<vmem>>) target_semaphore(%arg14 : memref<!tpu.dma_semaphore, #tpu.memory_space<semaphore_mem>>)
    %broadcast_in_dim3A = arith.constant 0.000000e+00 : f32
    %broadcast_in_dim3A_30 = vector.broadcast %broadcast_in_dim3A : f32 to vector<16xf32>
    %scan3A = arith.constant 0 : i32
    %scan3A_31 = arith.constant 0 : i32
    %scan3A_32 = arith.constant 960 : i32
    %scan3A_33 = arith.addi %scan3A_31, %scan3A_32 : i32
    %scan3A_34 = arith.constant 1 : i32
    scf.for %scan3A_94 = %scan3A_31 to %scan3A_33 step %scan3A_34  : i32 {
      %jit3A = arith.constant 8 : i32
      %div3A = arith.divsi %scan3A_94, %jit3A : i32
      %sign3A = arith.constant 0 : i32
      %sign3A_95 = arith.cmpi sgt, %scan3A_94, %sign3A : i32
      %sign3A_96 = arith.extui %sign3A_95 : i1 to i32
      %sign3A_97 = arith.constant 0 : i32
      %sign3A_98 = arith.cmpi slt, %scan3A_94, %sign3A_97 : i32
      %sign3A_99 = arith.extui %sign3A_98 : i1 to i32
      %sign3A_100 = arith.subi %sign3A_96, %sign3A_99 : i32
      %sign3A_101 = arith.constant 0 : i32
      %sign3A_102 = arith.cmpi sgt, %jit3A, %sign3A_101 : i32
      %sign3A_103 = arith.extui %sign3A_102 : i1 to i32
      %sign3A_104 = arith.constant 0 : i32
      %sign3A_105 = arith.cmpi slt, %jit3A, %sign3A_104 : i32
      %sign3A_106 = arith.extui %sign3A_105 : i1 to i32
      %sign3A_107 = arith.subi %sign3A_103, %sign3A_106 : i32
      %ne3A = arith.cmpi ne, %sign3A_100, %sign3A_107 : i32
      %rem3A = arith.remsi %scan3A_94, %jit3A : i32
      %ne3A_108 = arith.constant 0 : i32
      %ne3A_109 = arith.cmpi ne, %rem3A, %ne3A_108 : i32
      %and3A = arith.andi %ne3A, %ne3A_109 : i1
      %sub3A = arith.constant 1 : i32
      %sub3A_110 = arith.subi %div3A, %sub3A : i32
      %select_n3A = arith.select %and3A, %sub3A_110, %div3A : i32
      %jit3A_111 = arith.constant 8 : i32
      %eq3A = arith.constant 0 : i32
      %eq3A_112 = arith.cmpi eq, %jit3A_111, %eq3A : i32
      %jit3A_113 = arith.constant 1 : i32
      %select_n3A_114 = arith.select %eq3A_112, %jit3A_113, %jit3A_111 : i32
      %rem3A_115 = arith.remsi %scan3A_94, %select_n3A_114 : i32
      %ne3A_116 = arith.constant 0 : i32
      %ne3A_117 = arith.cmpi ne, %rem3A_115, %ne3A_116 : i32
      %lt3A = arith.constant 0 : i32
      %lt3A_118 = arith.cmpi slt, %rem3A_115, %lt3A : i32
      %lt3A_119 = arith.constant 0 : i32
      %lt3A_120 = arith.cmpi slt, %select_n3A_114, %lt3A_119 : i32
      %ne3A_121 = arith.xori %lt3A_118, %lt3A_120 : i1
      %and3A_122 = arith.andi %ne3A_121, %ne3A_117 : i1
      %add3A_123 = arith.addi %rem3A_115, %select_n3A_114 : i32
      %select_n3A_124 = arith.select %and3A_122, %add3A_123, %rem3A_115 : i32
      %mul3A_125 = arith.constant 16 : i32
      %mul3A_126 = arith.muli %select_n3A_124, %mul3A_125 : i32
      %swap3A = arith.index_cast %select_n3A : i32 to index
      %swap3A_127 = arith.index_cast %mul3A_126 : i32 to index
      %swap3A_128 = tpu.vector_load %arg10[%swap3A, %swap3A_127] {strides = array<i32>} : memref<120x128xf32, #tpu.memory_space<vmem>>, vector<1x16xf32>,
      %swap3A_129 = vector.shape_cast %swap3A_128 : vector<1x16xf32> to vector<16xf32>
      %swap3A_130 = vector.shape_cast %broadcast_in_dim3A_30 : vector<16xf32> to vector<1x16xf32>
      tpu.vector_store %arg10[%swap3A, %swap3A_127], %swap3A_130 {strides = array<i32>} : memref<120x128xf32, #tpu.memory_space<vmem>>, vector<1x16xf32>,
    }
    %scan3A_35 = arith.constant 960 : i32
    %add3A_36 = arith.constant 0 : i32
    %add3A_37 = arith.addi %mul3A_2, %add3A_36 : i32
    "tpu.region"() ({
      %run_scoped3A = tpu.sem_alloc : memref<!tpu.dma_semaphore, #tpu.memory_space<semaphore_mem>>
      %dma_start3A_94 = arith.constant 0 : i32
      %dma_start3A_95 = tpu.memref_slice %arg12[%add3A_37, %dma_start3A_94] : memref<10240x128xf32, #tpu.memory_space<vmem_shared>> -> memref<120x128xf32, #tpu.memory_space<vmem_shared>>
      %dma_start3A_96 = arith.constant 0 : i32
      %dma_start3A_97 = tpu.memref_slice %arg12[%add3A_37, %dma_start3A_96] : memref<10240x128xf32, #tpu.memory_space<vmem_shared>> -> memref<120x128xf32, #tpu.memory_space<vmem_shared>>
      tpu.enqueue_dma source(%arg10 : memref<120x128xf32, #tpu.memory_space<vmem>>) target(%dma_start3A_97 : memref<120x128xf32, #tpu.memory_space<vmem_shared>>) target_semaphore(%run_scoped3A : memref<!tpu.dma_semaphore, #tpu.memory_space<semaphore_mem>>)
      %dma_wait3A_98 = arith.constant 0 : i32
      %dma_wait3A_99 = tpu.memref_slice %arg12[%add3A_37, %dma_wait3A_98] : memref<10240x128xf32, #tpu.memory_space<vmem_shared>> -> memref<120x128xf32, #tpu.memory_space<vmem_shared>>
      %dma_wait3A_100 = arith.constant 0 : i32
      %dma_wait3A_101 = tpu.memref_slice %arg12[%add3A_37, %dma_wait3A_100] : memref<10240x128xf32, #tpu.memory_space<vmem_shared>> -> memref<120x128xf32, #tpu.memory_space<vmem_shared>>
      tpu.wait_dma2 semaphore(%run_scoped3A : memref<!tpu.dma_semaphore, #tpu.memory_space<semaphore_mem>>) src(%arg10 : memref<120x128xf32, #tpu.memory_space<vmem>>) dst(%dma_wait3A_101 : memref<120x128xf32, #tpu.memory_space<vmem_shared>>)
      tpu.yield
    }) : () -> ()
    %add3A_38 = arith.constant 120 : i32
    %add3A_39 = arith.addi %mul3A_2, %add3A_38 : i32
    "tpu.region"() ({
      %run_scoped3A = tpu.sem_alloc : memref<!tpu.dma_semaphore, #tpu.memory_space<semaphore_mem>>
      %dma_start3A_94 = arith.constant 0 : i32
      %dma_start3A_95 = tpu.memref_slice %arg12[%add3A_39, %dma_start3A_94] : memref<10240x128xf32, #tpu.memory_space<vmem_shared>> -> memref<120x128xf32, #tpu.memory_space<vmem_shared>>
      %dma_start3A_96 = arith.constant 0 : i32
      %dma_start3A_97 = tpu.memref_slice %arg12[%add3A_39, %dma_start3A_96] : memref<10240x128xf32, #tpu.memory_space<vmem_shared>> -> memref<120x128xf32, #tpu.memory_space<vmem_shared>>
      tpu.enqueue_dma source(%arg10 : memref<120x128xf32, #tpu.memory_space<vmem>>) target(%dma_start3A_97 : memref<120x128xf32, #tpu.memory_space<vmem_shared>>) target_semaphore(%run_scoped3A : memref<!tpu.dma_semaphore, #tpu.memory_space<semaphore_mem>>)
      %dma_wait3A_98 = arith.constant 0 : i32
      %dma_wait3A_99 = tpu.memref_slice %arg12[%add3A_39, %dma_wait3A_98] : memref<10240x128xf32, #tpu.memory_space<vmem_shared>> -> memref<120x128xf32, #tpu.memory_space<vmem_shared>>
      %dma_wait3A_100 = arith.constant 0 : i32
      %dma_wait3A_101 = tpu.memref_slice %arg12[%add3A_39, %dma_wait3A_100] : memref<10240x128xf32, #tpu.memory_space<vmem_shared>> -> memref<120x128xf32, #tpu.memory_space<vmem_shared>>
      tpu.wait_dma2 semaphore(%run_scoped3A : memref<!tpu.dma_semaphore, #tpu.memory_space<semaphore_mem>>) src(%arg10 : memref<120x128xf32, #tpu.memory_space<vmem>>) dst(%dma_wait3A_101 : memref<120x128xf32, #tpu.memory_space<vmem_shared>>)
      tpu.yield
    }) : () -> ()
    %add3A_40 = arith.constant 240 : i32
    %add3A_41 = arith.addi %mul3A_2, %add3A_40 : i32
    "tpu.region"() ({
      %run_scoped3A = tpu.sem_alloc : memref<!tpu.dma_semaphore, #tpu.memory_space<semaphore_mem>>
      %dma_start3A_94 = arith.constant 0 : i32
      %dma_start3A_95 = tpu.memref_slice %arg12[%add3A_41, %dma_start3A_94] : memref<10240x128xf32, #tpu.memory_space<vmem_shared>> -> memref<120x128xf32, #tpu.memory_space<vmem_shared>>
      %dma_start3A_96 = arith.constant 0 : i32
      %dma_start3A_97 = tpu.memref_slice %arg12[%add3A_41, %dma_start3A_96] : memref<10240x128xf32, #tpu.memory_space<vmem_shared>> -> memref<120x128xf32, #tpu.memory_space<vmem_shared>>
      tpu.enqueue_dma source(%arg10 : memref<120x128xf32, #tpu.memory_space<vmem>>) target(%dma_start3A_97 : memref<120x128xf32, #tpu.memory_space<vmem_shared>>) target_semaphore(%run_scoped3A : memref<!tpu.dma_semaphore, #tpu.memory_space<semaphore_mem>>)
      %dma_wait3A_98 = arith.constant 0 : i32
      %dma_wait3A_99 = tpu.memref_slice %arg12[%add3A_41, %dma_wait3A_98] : memref<10240x128xf32, #tpu.memory_space<vmem_shared>> -> memref<120x128xf32, #tpu.memory_space<vmem_shared>>
      %dma_wait3A_100 = arith.constant 0 : i32
      %dma_wait3A_101 = tpu.memref_slice %arg12[%add3A_41, %dma_wait3A_100] : memref<10240x128xf32, #tpu.memory_space<vmem_shared>> -> memref<120x128xf32, #tpu.memory_space<vmem_shared>>
      tpu.wait_dma2 semaphore(%run_scoped3A : memref<!tpu.dma_semaphore, #tpu.memory_space<semaphore_mem>>) src(%arg10 : memref<120x128xf32, #tpu.memory_space<vmem>>) dst(%dma_wait3A_101 : memref<120x128xf32, #tpu.memory_space<vmem_shared>>)
      tpu.yield
    }) : () -> ()
    %add3A_42 = arith.constant 360 : i32
    %add3A_43 = arith.addi %mul3A_2, %add3A_42 : i32
    "tpu.region"() ({
      %run_scoped3A = tpu.sem_alloc : memref<!tpu.dma_semaphore, #tpu.memory_space<semaphore_mem>>
      %dma_start3A_94 = arith.constant 0 : i32
      %dma_start3A_95 = tpu.memref_slice %arg12[%add3A_43, %dma_start3A_94] : memref<10240x128xf32, #tpu.memory_space<vmem_shared>> -> memref<120x128xf32, #tpu.memory_space<vmem_shared>>
      %dma_start3A_96 = arith.constant 0 : i32
      %dma_start3A_97 = tpu.memref_slice %arg12[%add3A_43, %dma_start3A_96] : memref<10240x128xf32, #tpu.memory_space<vmem_shared>> -> memref<120x128xf32, #tpu.memory_space<vmem_shared>>
      tpu.enqueue_dma source(%arg10 : memref<120x128xf32, #tpu.memory_space<vmem>>) target(%dma_start3A_97 : memref<120x128xf32, #tpu.memory_space<vmem_shared>>) target_semaphore(%run_scoped3A : memref<!tpu.dma_semaphore, #tpu.memory_space<semaphore_mem>>)
      %dma_wait3A_98 = arith.constant 0 : i32
      %dma_wait3A_99 = tpu.memref_slice %arg12[%add3A_43, %dma_wait3A_98] : memref<10240x128xf32, #tpu.memory_space<vmem_shared>> -> memref<120x128xf32, #tpu.memory_space<vmem_shared>>
      %dma_wait3A_100 = arith.constant 0 : i32
      %dma_wait3A_101 = tpu.memref_slice %arg12[%add3A_43, %dma_wait3A_100] : memref<10240x128xf32, #tpu.memory_space<vmem_shared>> -> memref<120x128xf32, #tpu.memory_space<vmem_shared>>
      tpu.wait_dma2 semaphore(%run_scoped3A : memref<!tpu.dma_semaphore, #tpu.memory_space<semaphore_mem>>) src(%arg10 : memref<120x128xf32, #tpu.memory_space<vmem>>) dst(%dma_wait3A_101 : memref<120x128xf32, #tpu.memory_space<vmem_shared>>)
      tpu.yield
    }) : () -> ()
    %add3A_44 = arith.constant 480 : i32
    %add3A_45 = arith.addi %mul3A_2, %add3A_44 : i32
    "tpu.region"() ({
      %run_scoped3A = tpu.sem_alloc : memref<!tpu.dma_semaphore, #tpu.memory_space<semaphore_mem>>
      %dma_start3A_94 = arith.constant 0 : i32
      %dma_start3A_95 = tpu.memref_slice %arg12[%add3A_45, %dma_start3A_94] : memref<10240x128xf32, #tpu.memory_space<vmem_shared>> -> memref<120x128xf32, #tpu.memory_space<vmem_shared>>
      %dma_start3A_96 = arith.constant 0 : i32
      %dma_start3A_97 = tpu.memref_slice %arg12[%add3A_45, %dma_start3A_96] : memref<10240x128xf32, #tpu.memory_space<vmem_shared>> -> memref<120x128xf32, #tpu.memory_space<vmem_shared>>
      tpu.enqueue_dma source(%arg10 : memref<120x128xf32, #tpu.memory_space<vmem>>) target(%dma_start3A_97 : memref<120x128xf32, #tpu.memory_space<vmem_shared>>) target_semaphore(%run_scoped3A : memref<!tpu.dma_semaphore, #tpu.memory_space<semaphore_mem>>)
      %dma_wait3A_98 = arith.constant 0 : i32
      %dma_wait3A_99 = tpu.memref_slice %arg12[%add3A_45, %dma_wait3A_98] : memref<10240x128xf32, #tpu.memory_space<vmem_shared>> -> memref<120x128xf32, #tpu.memory_space<vmem_shared>>
      %dma_wait3A_100 = arith.constant 0 : i32
      %dma_wait3A_101 = tpu.memref_slice %arg12[%add3A_45, %dma_wait3A_100] : memref<10240x128xf32, #tpu.memory_space<vmem_shared>> -> memref<120x128xf32, #tpu.memory_space<vmem_shared>>
      tpu.wait_dma2 semaphore(%run_scoped3A : memref<!tpu.dma_semaphore, #tpu.memory_space<semaphore_mem>>) src(%arg10 : memref<120x128xf32, #tpu.memory_space<vmem>>) dst(%dma_wait3A_101 : memref<120x128xf32, #tpu.memory_space<vmem_shared>>)
      tpu.yield
    }) : () -> ()
    %add3A_46 = arith.constant 600 : i32
    %add3A_47 = arith.addi %mul3A_2, %add3A_46 : i32
    "tpu.region"() ({
      %run_scoped3A = tpu.sem_alloc : memref<!tpu.dma_semaphore, #tpu.memory_space<semaphore_mem>>
      %dma_start3A_94 = arith.constant 0 : i32
      %dma_start3A_95 = arith.constant 0 : i32
      %dma_start3A_96 = tpu.memref_slice %arg10[%dma_start3A_94, %dma_start3A_95] : memref<120x128xf32, #tpu.memory_space<vmem>> -> memref<40x128xf32, #tpu.memory_space<vmem>>
      %dma_start3A_97 = arith.constant 0 : i32
      %dma_start3A_98 = tpu.memref_slice %arg12[%add3A_47, %dma_start3A_97] : memref<10240x128xf32, #tpu.memory_space<vmem_shared>> -> memref<40x128xf32, #tpu.memory_space<vmem_shared>>
      %dma_start3A_99 = arith.constant 0 : i32
      %dma_start3A_100 = tpu.memref_slice %arg12[%add3A_47, %dma_start3A_99] : memref<10240x128xf32, #tpu.memory_space<vmem_shared>> -> memref<40x128xf32, #tpu.memory_space<vmem_shared>>
      %dma_start3A_101 = arith.constant 0 : i32
      %dma_start3A_102 = arith.constant 0 : i32
      %dma_start3A_103 = tpu.memref_slice %arg10[%dma_start3A_101, %dma_start3A_102] : memref<120x128xf32, #tpu.memory_space<vmem>> -> memref<40x128xf32, #tpu.memory_space<vmem>>
      tpu.enqueue_dma source(%dma_start3A_103 : memref<40x128xf32, #tpu.memory_space<vmem>>) target(%dma_start3A_100 : memref<40x128xf32, #tpu.memory_space<vmem_shared>>) target_semaphore(%run_scoped3A : memref<!tpu.dma_semaphore, #tpu.memory_space<semaphore_mem>>)
      %dma_wait3A_104 = arith.constant 0 : i32
      %dma_wait3A_105 = arith.constant 0 : i32
      %dma_wait3A_106 = tpu.memref_slice %arg10[%dma_wait3A_104, %dma_wait3A_105] : memref<120x128xf32, #tpu.memory_space<vmem>> -> memref<40x128xf32, #tpu.memory_space<vmem>>
      %dma_wait3A_107 = arith.constant 0 : i32
      %dma_wait3A_108 = tpu.memref_slice %arg12[%add3A_47, %dma_wait3A_107] : memref<10240x128xf32, #tpu.memory_space<vmem_shared>> -> memref<40x128xf32, #tpu.memory_space<vmem_shared>>
      %dma_wait3A_109 = arith.constant 0 : i32
      %dma_wait3A_110 = tpu.memref_slice %arg12[%add3A_47, %dma_wait3A_109] : memref<10240x128xf32, #tpu.memory_space<vmem_shared>> -> memref<40x128xf32, #tpu.memory_space<vmem_shared>>
      %dma_wait3A_111 = arith.constant 0 : i32
      %dma_wait3A_112 = arith.constant 0 : i32
      %dma_wait3A_113 = tpu.memref_slice %arg10[%dma_wait3A_111, %dma_wait3A_112] : memref<120x128xf32, #tpu.memory_space<vmem>> -> memref<40x128xf32, #tpu.memory_space<vmem>>
      tpu.wait_dma2 semaphore(%run_scoped3A : memref<!tpu.dma_semaphore, #tpu.memory_space<semaphore_mem>>) src(%dma_wait3A_113 : memref<40x128xf32, #tpu.memory_space<vmem>>) dst(%dma_wait3A_110 : memref<40x128xf32, #tpu.memory_space<vmem_shared>>)
      tpu.yield
    }) : () -> ()
    %barrier3A = arith.constant 0 : index
    tpu.barrier barrier_id(%barrier3A)
    %scan3A_48 = arith.constant 0 : i32
    %scan3A_49 = arith.constant 0 : i32
    %scan3A_50 = arith.constant 41 : i32
    %scan3A_51 = arith.addi %scan3A_49, %scan3A_50 : i32
    %scan3A_52 = arith.constant 1 : i32
    scf.for %scan3A_94 = %scan3A_49 to %scan3A_51 step %scan3A_52  : i32 {
      %mul3A_95 = arith.constant 2 : i32
      %mul3A_96 = arith.muli %scan3A_94, %mul3A_95 : i32
      %add3A_97 = arith.constant 0 : i32
      %add3A_98 = arith.addi %mul3A_96, %add3A_97 : i32
      %dma_wait3A_99 = arith.constant 0 : i32
      %dma_wait3A_100 = tpu.memref_slice %arg3[%add3A, %add3A_98, %dma_wait3A_99] : memref<32x84x120xi32, #tpu.memory_space<hbm>> -> memref<1x1x120xi32, #tpu.memory_space<hbm>>
      %dma_wait3A_101 = tpu.memref_squeeze %dma_wait3A_100 : memref<1x1x120xi32, #tpu.memory_space<hbm>> -> memref<120xi32, #tpu.memory_space<hbm>>
      %dma_wait3A_102 = arith.constant 0 : i32
      %dma_wait3A_103 = tpu.memref_slice %arg3[%add3A, %add3A_98, %dma_wait3A_102] : memref<32x84x120xi32, #tpu.memory_space<hbm>> -> memref<1x1x120xi32, #tpu.memory_space<hbm>>
      %dma_wait3A_104 = tpu.memref_squeeze %dma_wait3A_103 : memref<1x1x120xi32, #tpu.memory_space<hbm>> -> memref<120xi32, #tpu.memory_space<hbm>>
      tpu.wait_dma2 semaphore(%arg13 : memref<!tpu.dma_semaphore, #tpu.memory_space<semaphore_mem>>) src(%dma_wait3A_104 : memref<120xi32, #tpu.memory_space<hbm>>) dst(%arg6 : memref<120xi32, #tpu.memory_space<vmem>>)
      %dma_wait3A_105 = arith.constant 0 : i32
      %dma_wait3A_106 = tpu.memref_slice %arg4[%add3A, %add3A_98, %dma_wait3A_105] : memref<32x84x120xi32, #tpu.memory_space<hbm>> -> memref<1x1x120xi32, #tpu.memory_space<hbm>>
      %dma_wait3A_107 = tpu.memref_squeeze %dma_wait3A_106 : memref<1x1x120xi32, #tpu.memory_space<hbm>> -> memref<120xi32, #tpu.memory_space<hbm>>
      %dma_wait3A_108 = arith.constant 0 : i32
      %dma_wait3A_109 = tpu.memref_slice %arg4[%add3A, %add3A_98, %dma_wait3A_108] : memref<32x84x120xi32, #tpu.memory_space<hbm>> -> memref<1x1x120xi32, #tpu.memory_space<hbm>>
      %dma_wait3A_110 = tpu.memref_squeeze %dma_wait3A_109 : memref<1x1x120xi32, #tpu.memory_space<hbm>> -> memref<120xi32, #tpu.memory_space<hbm>>
      tpu.wait_dma2 semaphore(%arg13 : memref<!tpu.dma_semaphore, #tpu.memory_space<semaphore_mem>>) src(%dma_wait3A_110 : memref<120xi32, #tpu.memory_space<hbm>>) dst(%arg8 : memref<120xi32, #tpu.memory_space<vmem>>)
      %dma_start3A_111 = arith.constant 0 : i32
      %dma_start3A_112 = arith.constant 0 : i32
      %dma_start3A_113 = tpu.memref_slice %arg2[%dma_start3A_111, %dma_start3A_112] : memref<10000x128xf32, #tpu.memory_space<hbm>> -> memref<10000x128xf32, #tpu.memory_space<hbm>>
      tpu.enqueue_indirect_dma source(%dma_start3A_113 : memref<10000x128xf32, #tpu.memory_space<hbm>>) target(%arg10 : memref<120x128xf32, #tpu.memory_space<vmem>>) offsets(%arg6 : memref<120xi32, #tpu.memory_space<vmem>>) semaphore(%arg15 : memref<!tpu.dma_semaphore, #tpu.memory_space<semaphore_mem>>)
      %add3A_114 = arith.constant 1 : i32
      %add3A_115 = arith.addi %mul3A_96, %add3A_114 : i32
      %dma_wait3A_116 = arith.constant 0 : i32
      %dma_wait3A_117 = tpu.memref_slice %arg3[%add3A, %add3A_115, %dma_wait3A_116] : memref<32x84x120xi32, #tpu.memory_space<hbm>> -> memref<1x1x120xi32, #tpu.memory_space<hbm>>
      %dma_wait3A_118 = tpu.memref_squeeze %dma_wait3A_117 : memref<1x1x120xi32, #tpu.memory_space<hbm>> -> memref<120xi32, #tpu.memory_space<hbm>>
      %dma_wait3A_119 = arith.constant 0 : i32
      %dma_wait3A_120 = tpu.memref_slice %arg3[%add3A, %add3A_115, %dma_wait3A_119] : memref<32x84x120xi32, #tpu.memory_space<hbm>> -> memref<1x1x120xi32, #tpu.memory_space<hbm>>
      %dma_wait3A_121 = tpu.memref_squeeze %dma_wait3A_120 : memref<1x1x120xi32, #tpu.memory_space<hbm>> -> memref<120xi32, #tpu.memory_space<hbm>>
      tpu.wait_dma2 semaphore(%arg14 : memref<!tpu.dma_semaphore, #tpu.memory_space<semaphore_mem>>) src(%dma_wait3A_121 : memref<120xi32, #tpu.memory_space<hbm>>) dst(%arg7 : memref<120xi32, #tpu.memory_space<vmem>>)
      %dma_wait3A_122 = arith.constant 0 : i32
      %dma_wait3A_123 = tpu.memref_slice %arg4[%add3A, %add3A_115, %dma_wait3A_122] : memref<32x84x120xi32, #tpu.memory_space<hbm>> -> memref<1x1x120xi32, #tpu.memory_space<hbm>>
      %dma_wait3A_124 = tpu.memref_squeeze %dma_wait3A_123 : memref<1x1x120xi32, #tpu.memory_space<hbm>> -> memref<120xi32, #tpu.memory_space<hbm>>
      %dma_wait3A_125 = arith.constant 0 : i32
      %dma_wait3A_126 = tpu.memref_slice %arg4[%add3A, %add3A_115, %dma_wait3A_125] : memref<32x84x120xi32, #tpu.memory_space<hbm>> -> memref<1x1x120xi32, #tpu.memory_space<hbm>>
      %dma_wait3A_127 = tpu.memref_squeeze %dma_wait3A_126 : memref<1x1x120xi32, #tpu.memory_space<hbm>> -> memref<120xi32, #tpu.memory_space<hbm>>
      tpu.wait_dma2 semaphore(%arg14 : memref<!tpu.dma_semaphore, #tpu.memory_space<semaphore_mem>>) src(%dma_wait3A_127 : memref<120xi32, #tpu.memory_space<hbm>>) dst(%arg9 : memref<120xi32, #tpu.memory_space<vmem>>)
      %dma_start3A_128 = arith.constant 0 : i32
      %dma_start3A_129 = arith.constant 0 : i32
      %dma_start3A_130 = tpu.memref_slice %arg2[%dma_start3A_128, %dma_start3A_129] : memref<10000x128xf32, #tpu.memory_space<hbm>> -> memref<10000x128xf32, #tpu.memory_space<hbm>>
      tpu.enqueue_indirect_dma source(%dma_start3A_130 : memref<10000x128xf32, #tpu.memory_space<hbm>>) target(%arg11 : memref<120x128xf32, #tpu.memory_space<vmem>>) offsets(%arg7 : memref<120xi32, #tpu.memory_space<vmem>>) semaphore(%arg16 : memref<!tpu.dma_semaphore, #tpu.memory_space<semaphore_mem>>)
      %dma_wait3A_131 = arith.constant 0 : i32
      %dma_wait3A_132 = arith.constant 0 : i32
      %dma_wait3A_133 = tpu.memref_slice %arg2[%dma_wait3A_131, %dma_wait3A_132] : memref<10000x128xf32, #tpu.memory_space<hbm>> -> memref<10000x128xf32, #tpu.memory_space<hbm>>
      tpu.wait_indirect_dma semaphore(%arg15 : memref<!tpu.dma_semaphore, #tpu.memory_space<semaphore_mem>>) src(%dma_wait3A_133 : memref<10000x128xf32, #tpu.memory_space<hbm>>) dst(%arg10 : memref<120x128xf32, #tpu.memory_space<vmem>>)
      "tpu.region"() ({
        %run_scoped3A = tpu.sem_alloc : memref<!tpu.dma_semaphore, #tpu.memory_space<semaphore_mem>>
        %dma_start3A_169 = arith.constant 0 : i32
        %dma_start3A_170 = arith.constant 0 : i32
        %dma_start3A_171 = tpu.memref_slice %arg12[%dma_start3A_169, %dma_start3A_170] : memref<10240x128xf32, #tpu.memory_space<vmem_shared>> -> memref<10240x128xf32, #tpu.memory_space<vmem_shared>>
        tpu.enqueue_indirect_dma source(%arg10 : memref<120x128xf32, #tpu.memory_space<vmem>>) target(%dma_start3A_171 : memref<10240x128xf32, #tpu.memory_space<vmem_shared>>) offsets(%arg8 : memref<120xi32, #tpu.memory_space<vmem>>) semaphore(%run_scoped3A : memref<!tpu.dma_semaphore, #tpu.memory_space<semaphore_mem>>) {add = true}
        %dma_wait3A_172 = arith.constant 0 : i32
        %dma_wait3A_173 = arith.constant 0 : i32
        %dma_wait3A_174 = tpu.memref_slice %arg12[%dma_wait3A_172, %dma_wait3A_173] : memref<10240x128xf32, #tpu.memory_space<vmem_shared>> -> memref<10240x128xf32, #tpu.memory_space<vmem_shared>>
        tpu.wait_indirect_dma semaphore(%run_scoped3A : memref<!tpu.dma_semaphore, #tpu.memory_space<semaphore_mem>>) src(%arg10 : memref<120x128xf32, #tpu.memory_space<vmem>>) dst(%dma_wait3A_174 : memref<10240x128xf32, #tpu.memory_space<vmem_shared>>)
        tpu.yield
      }) : () -> ()
      %add3A_134 = arith.constant 2 : i32
      %add3A_135 = arith.addi %mul3A_96, %add3A_134 : i32
      %add3A_136 = arith.constant 0 : i32
      %add3A_137 = arith.addi %add3A_135, %add3A_136 : i32
      %dma_start3A_138 = arith.constant 0 : i32
      %dma_start3A_139 = tpu.memref_slice %arg3[%add3A, %add3A_137, %dma_start3A_138] : memref<32x84x120xi32, #tpu.memory_space<hbm>> -> memref<1x1x120xi32, #tpu.memory_space<hbm>>
      %dma_start3A_140 = tpu.memref_squeeze %dma_start3A_139 : memref<1x1x120xi32, #tpu.memory_space<hbm>> -> memref<120xi32, #tpu.memory_space<hbm>>
      %dma_start3A_141 = arith.constant 0 : i32
      %dma_start3A_142 = tpu.memref_slice %arg3[%add3A, %add3A_137, %dma_start3A_141] : memref<32x84x120xi32, #tpu.memory_space<hbm>> -> memref<1x1x120xi32, #tpu.memory_space<hbm>>
      %dma_start3A_143 = tpu.memref_squeeze %dma_start3A_142 : memref<1x1x120xi32, #tpu.memory_space<hbm>> -> memref<120xi32, #tpu.memory_space<hbm>>
      tpu.enqueue_dma source(%dma_start3A_143 : memref<120xi32, #tpu.memory_space<hbm>>) target(%arg6 : memref<120xi32, #tpu.memory_space<vmem>>) target_semaphore(%arg13 : memref<!tpu.dma_semaphore, #tpu.memory_space<semaphore_mem>>)
      %dma_start3A_144 = arith.constant 0 : i32
      %dma_start3A_145 = tpu.memref_slice %arg4[%add3A, %add3A_137, %dma_start3A_144] : memref<32x84x120xi32, #tpu.memory_space<hbm>> -> memref<1x1x120xi32, #tpu.memory_space<hbm>>
      %dma_start3A_146 = tpu.memref_squeeze %dma_start3A_145 : memref<1x1x120xi32, #tpu.memory_space<hbm>> -> memref<120xi32, #tpu.memory_space<hbm>>
      %dma_start3A_147 = arith.constant 0 : i32
      %dma_start3A_148 = tpu.memref_slice %arg4[%add3A, %add3A_137, %dma_start3A_147] : memref<32x84x120xi32, #tpu.memory_space<hbm>> -> memref<1x1x120xi32, #tpu.memory_space<hbm>>
      %dma_start3A_149 = tpu.memref_squeeze %dma_start3A_148 : memref<1x1x120xi32, #tpu.memory_space<hbm>> -> memref<120xi32, #tpu.memory_space<hbm>>
      tpu.enqueue_dma source(%dma_start3A_149 : memref<120xi32, #tpu.memory_space<hbm>>) target(%arg8 : memref<120xi32, #tpu.memory_space<vmem>>) target_semaphore(%arg13 : memref<!tpu.dma_semaphore, #tpu.memory_space<semaphore_mem>>)
      %dma_wait3A_150 = arith.constant 0 : i32
      %dma_wait3A_151 = arith.constant 0 : i32
      %dma_wait3A_152 = tpu.memref_slice %arg2[%dma_wait3A_150, %dma_wait3A_151] : memref<10000x128xf32, #tpu.memory_space<hbm>> -> memref<10000x128xf32, #tpu.memory_space<hbm>>
      tpu.wait_indirect_dma semaphore(%arg16 : memref<!tpu.dma_semaphore, #tpu.memory_space<semaphore_mem>>) src(%dma_wait3A_152 : memref<10000x128xf32, #tpu.memory_space<hbm>>) dst(%arg11 : memref<120x128xf32, #tpu.memory_space<vmem>>)
      "tpu.region"() ({
        %run_scoped3A = tpu.sem_alloc : memref<!tpu.dma_semaphore, #tpu.memory_space<semaphore_mem>>
        %dma_start3A_169 = arith.constant 0 : i32
        %dma_start3A_170 = arith.constant 0 : i32
        %dma_start3A_171 = tpu.memref_slice %arg12[%dma_start3A_169, %dma_start3A_170] : memref<10240x128xf32, #tpu.memory_space<vmem_shared>> -> memref<10240x128xf32, #tpu.memory_space<vmem_shared>>
        tpu.enqueue_indirect_dma source(%arg11 : memref<120x128xf32, #tpu.memory_space<vmem>>) target(%dma_start3A_171 : memref<10240x128xf32, #tpu.memory_space<vmem_shared>>) offsets(%arg9 : memref<120xi32, #tpu.memory_space<vmem>>) semaphore(%run_scoped3A : memref<!tpu.dma_semaphore, #tpu.memory_space<semaphore_mem>>) {add = true}
        %dma_wait3A_172 = arith.constant 0 : i32
        %dma_wait3A_173 = arith.constant 0 : i32
        %dma_wait3A_174 = tpu.memref_slice %arg12[%dma_wait3A_172, %dma_wait3A_173] : memref<10240x128xf32, #tpu.memory_space<vmem_shared>> -> memref<10240x128xf32, #tpu.memory_space<vmem_shared>>
        tpu.wait_indirect_dma semaphore(%run_scoped3A : memref<!tpu.dma_semaphore, #tpu.memory_space<semaphore_mem>>) src(%arg11 : memref<120x128xf32, #tpu.memory_space<vmem>>) dst(%dma_wait3A_174 : memref<10240x128xf32, #tpu.memory_space<vmem_shared>>)
        tpu.yield
      }) : () -> ()
      %add3A_153 = arith.constant 2 : i32
      %add3A_154 = arith.addi %mul3A_96, %add3A_153 : i32
      %add3A_155 = arith.constant 1 : i32
      %add3A_156 = arith.addi %add3A_154, %add3A_155 : i32
      %dma_start3A_157 = arith.constant 0 : i32
      %dma_start3A_158 = tpu.memref_slice %arg3[%add3A, %add3A_156, %dma_start3A_157] : memref<32x84x120xi32, #tpu.memory_space<hbm>> -> memref<1x1x120xi32, #tpu.memory_space<hbm>>
      %dma_start3A_159 = tpu.memref_squeeze %dma_start3A_158 : memref<1x1x120xi32, #tpu.memory_space<hbm>> -> memref<120xi32, #tpu.memory_space<hbm>>
      %dma_start3A_160 = arith.constant 0 : i32
      %dma_start3A_161 = tpu.memref_slice %arg3[%add3A, %add3A_156, %dma_start3A_160] : memref<32x84x120xi32, #tpu.memory_space<hbm>> -> memref<1x1x120xi32, #tpu.memory_space<hbm>>
      %dma_start3A_162 = tpu.memref_squeeze %dma_start3A_161 : memref<1x1x120xi32, #tpu.memory_space<hbm>> -> memref<120xi32, #tpu.memory_space<hbm>>
      tpu.enqueue_dma source(%dma_start3A_162 : memref<120xi32, #tpu.memory_space<hbm>>) target(%arg7 : memref<120xi32, #tpu.memory_space<vmem>>) target_semaphore(%arg14 : memref<!tpu.dma_semaphore, #tpu.memory_space<semaphore_mem>>)
      %dma_start3A_163 = arith.constant 0 : i32
      %dma_start3A_164 = tpu.memref_slice %arg4[%add3A, %add3A_156, %dma_start3A_163] : memref<32x84x120xi32, #tpu.memory_space<hbm>> -> memref<1x1x120xi32, #tpu.memory_space<hbm>>
      %dma_start3A_165 = tpu.memref_squeeze %dma_start3A_164 : memref<1x1x120xi32, #tpu.memory_space<hbm>> -> memref<120xi32, #tpu.memory_space<hbm>>
      %dma_start3A_166 = arith.constant 0 : i32
      %dma_start3A_167 = tpu.memref_slice %arg4[%add3A, %add3A_156, %dma_start3A_166] : memref<32x84x120xi32, #tpu.memory_space<hbm>> -> memref<1x1x120xi32, #tpu.memory_space<hbm>>
      %dma_start3A_168 = tpu.memref_squeeze %dma_start3A_167 : memref<1x1x120xi32, #tpu.memory_space<hbm>> -> memref<120xi32, #tpu.memory_space<hbm>>
      tpu.enqueue_dma source(%dma_start3A_168 : memref<120xi32, #tpu.memory_space<hbm>>) target(%arg9 : memref<120xi32, #tpu.memory_space<vmem>>) target_semaphore(%arg14 : memref<!tpu.dma_semaphore, #tpu.memory_space<semaphore_mem>>)
    }
    %scan3A_53 = arith.constant 41 : i32
    %dma_wait3A = arith.constant 82 : i32
    %dma_wait3A_54 = arith.constant 0 : i32
    %dma_wait3A_55 = tpu.memref_slice %arg3[%add3A, %dma_wait3A, %dma_wait3A_54] : memref<32x84x120xi32, #tpu.memory_space<hbm>> -> memref<1x1x120xi32, #tpu.memory_space<hbm>>
    %dma_wait3A_56 = tpu.memref_squeeze %dma_wait3A_55 : memref<1x1x120xi32, #tpu.memory_space<hbm>> -> memref<120xi32, #tpu.memory_space<hbm>>
    %dma_wait3A_57 = arith.constant 0 : i32
    %dma_wait3A_58 = tpu.memref_slice %arg3[%add3A, %dma_wait3A, %dma_wait3A_57] : memref<32x84x120xi32, #tpu.memory_space<hbm>> -> memref<1x1x120xi32, #tpu.memory_space<hbm>>
    %dma_wait3A_59 = tpu.memref_squeeze %dma_wait3A_58 : memref<1x1x120xi32, #tpu.memory_space<hbm>> -> memref<120xi32, #tpu.memory_space<hbm>>
    tpu.wait_dma2 semaphore(%arg13 : memref<!tpu.dma_semaphore, #tpu.memory_space<semaphore_mem>>) src(%dma_wait3A_59 : memref<120xi32, #tpu.memory_space<hbm>>) dst(%arg6 : memref<120xi32, #tpu.memory_space<vmem>>)
    %dma_wait3A_60 = arith.constant 82 : i32
    %dma_wait3A_61 = arith.constant 0 : i32
    %dma_wait3A_62 = tpu.memref_slice %arg4[%add3A, %dma_wait3A_60, %dma_wait3A_61] : memref<32x84x120xi32, #tpu.memory_space<hbm>> -> memref<1x1x120xi32, #tpu.memory_space<hbm>>
    %dma_wait3A_63 = tpu.memref_squeeze %dma_wait3A_62 : memref<1x1x120xi32, #tpu.memory_space<hbm>> -> memref<120xi32, #tpu.memory_space<hbm>>
    %dma_wait3A_64 = arith.constant 0 : i32
    %dma_wait3A_65 = tpu.memref_slice %arg4[%add3A, %dma_wait3A_60, %dma_wait3A_64] : memref<32x84x120xi32, #tpu.memory_space<hbm>> -> memref<1x1x120xi32, #tpu.memory_space<hbm>>
    %dma_wait3A_66 = tpu.memref_squeeze %dma_wait3A_65 : memref<1x1x120xi32, #tpu.memory_space<hbm>> -> memref<120xi32, #tpu.memory_space<hbm>>
    tpu.wait_dma2 semaphore(%arg13 : memref<!tpu.dma_semaphore, #tpu.memory_space<semaphore_mem>>) src(%dma_wait3A_66 : memref<120xi32, #tpu.memory_space<hbm>>) dst(%arg8 : memref<120xi32, #tpu.memory_space<vmem>>)
    %dma_start3A_67 = arith.constant 0 : i32
    %dma_start3A_68 = arith.constant 0 : i32
    %dma_start3A_69 = tpu.memref_slice %arg2[%dma_start3A_67, %dma_start3A_68] : memref<10000x128xf32, #tpu.memory_space<hbm>> -> memref<10000x128xf32, #tpu.memory_space<hbm>>
    tpu.enqueue_indirect_dma source(%dma_start3A_69 : memref<10000x128xf32, #tpu.memory_space<hbm>>) target(%arg10 : memref<120x128xf32, #tpu.memory_space<vmem>>) offsets(%arg6 : memref<120xi32, #tpu.memory_space<vmem>>) semaphore(%arg15 : memref<!tpu.dma_semaphore, #tpu.memory_space<semaphore_mem>>)
    %dma_wait3A_70 = arith.constant 83 : i32
    %dma_wait3A_71 = arith.constant 0 : i32
    %dma_wait3A_72 = tpu.memref_slice %arg3[%add3A, %dma_wait3A_70, %dma_wait3A_71] : memref<32x84x120xi32, #tpu.memory_space<hbm>> -> memref<1x1x120xi32, #tpu.memory_space<hbm>>
    %dma_wait3A_73 = tpu.memref_squeeze %dma_wait3A_72 : memref<1x1x120xi32, #tpu.memory_space<hbm>> -> memref<120xi32, #tpu.memory_space<hbm>>
    %dma_wait3A_74 = arith.constant 0 : i32
    %dma_wait3A_75 = tpu.memref_slice %arg3[%add3A, %dma_wait3A_70, %dma_wait3A_74] : memref<32x84x120xi32, #tpu.memory_space<hbm>> -> memref<1x1x120xi32, #tpu.memory_space<hbm>>
    %dma_wait3A_76 = tpu.memref_squeeze %dma_wait3A_75 : memref<1x1x120xi32, #tpu.memory_space<hbm>> -> memref<120xi32, #tpu.memory_space<hbm>>
    tpu.wait_dma2 semaphore(%arg14 : memref<!tpu.dma_semaphore, #tpu.memory_space<semaphore_mem>>) src(%dma_wait3A_76 : memref<120xi32, #tpu.memory_space<hbm>>) dst(%arg7 : memref<120xi32, #tpu.memory_space<vmem>>)
    %dma_wait3A_77 = arith.constant 83 : i32
    %dma_wait3A_78 = arith.constant 0 : i32
    %dma_wait3A_79 = tpu.memref_slice %arg4[%add3A, %dma_wait3A_77, %dma_wait3A_78] : memref<32x84x120xi32, #tpu.memory_space<hbm>> -> memref<1x1x120xi32, #tpu.memory_space<hbm>>
    %dma_wait3A_80 = tpu.memref_squeeze %dma_wait3A_79 : memref<1x1x120xi32, #tpu.memory_space<hbm>> -> memref<120xi32, #tpu.memory_space<hbm>>
    %dma_wait3A_81 = arith.constant 0 : i32
    %dma_wait3A_82 = tpu.memref_slice %arg4[%add3A, %dma_wait3A_77, %dma_wait3A_81] : memref<32x84x120xi32, #tpu.memory_space<hbm>> -> memref<1x1x120xi32, #tpu.memory_space<hbm>>
    %dma_wait3A_83 = tpu.memref_squeeze %dma_wait3A_82 : memref<1x1x120xi32, #tpu.memory_space<hbm>> -> memref<120xi32, #tpu.memory_space<hbm>>
    tpu.wait_dma2 semaphore(%arg14 : memref<!tpu.dma_semaphore, #tpu.memory_space<semaphore_mem>>) src(%dma_wait3A_83 : memref<120xi32, #tpu.memory_space<hbm>>) dst(%arg9 : memref<120xi32, #tpu.memory_space<vmem>>)
    %dma_start3A_84 = arith.constant 0 : i32
    %dma_start3A_85 = arith.constant 0 : i32
    %dma_start3A_86 = tpu.memref_slice %arg2[%dma_start3A_84, %dma_start3A_85] : memref<10000x128xf32, #tpu.memory_space<hbm>> -> memref<10000x128xf32, #tpu.memory_space<hbm>>
    tpu.enqueue_indirect_dma source(%dma_start3A_86 : memref<10000x128xf32, #tpu.memory_space<hbm>>) target(%arg11 : memref<120x128xf32, #tpu.memory_space<vmem>>) offsets(%arg7 : memref<120xi32, #tpu.memory_space<vmem>>) semaphore(%arg16 : memref<!tpu.dma_semaphore, #tpu.memory_space<semaphore_mem>>)
    %dma_wait3A_87 = arith.constant 0 : i32
    %dma_wait3A_88 = arith.constant 0 : i32
    %dma_wait3A_89 = tpu.memref_slice %arg2[%dma_wait3A_87, %dma_wait3A_88] : memref<10000x128xf32, #tpu.memory_space<hbm>> -> memref<10000x128xf32, #tpu.memory_space<hbm>>
    tpu.wait_indirect_dma semaphore(%arg15 : memref<!tpu.dma_semaphore, #tpu.memory_space<semaphore_mem>>) src(%dma_wait3A_89 : memref<10000x128xf32, #tpu.memory_space<hbm>>) dst(%arg10 : memref<120x128xf32, #tpu.memory_space<vmem>>)
    "tpu.region"() ({
      %run_scoped3A = tpu.sem_alloc : memref<!tpu.dma_semaphore, #tpu.memory_space<semaphore_mem>>
      %dma_start3A_94 = arith.constant 0 : i32
      %dma_start3A_95 = arith.constant 0 : i32
      %dma_start3A_96 = tpu.memref_slice %arg12[%dma_start3A_94, %dma_start3A_95] : memref<10240x128xf32, #tpu.memory_space<vmem_shared>> -> memref<10240x128xf32, #tpu.memory_space<vmem_shared>>
      tpu.enqueue_indirect_dma source(%arg10 : memref<120x128xf32, #tpu.memory_space<vmem>>) target(%dma_start3A_96 : memref<10240x128xf32, #tpu.memory_space<vmem_shared>>) offsets(%arg8 : memref<120xi32, #tpu.memory_space<vmem>>) semaphore(%run_scoped3A : memref<!tpu.dma_semaphore, #tpu.memory_space<semaphore_mem>>) {add = true}
      %dma_wait3A_97 = arith.constant 0 : i32
      %dma_wait3A_98 = arith.constant 0 : i32
      %dma_wait3A_99 = tpu.memref_slice %arg12[%dma_wait3A_97, %dma_wait3A_98] : memref<10240x128xf32, #tpu.memory_space<vmem_shared>> -> memref<10240x128xf32, #tpu.memory_space<vmem_shared>>
      tpu.wait_indirect_dma semaphore(%run_scoped3A : memref<!tpu.dma_semaphore, #tpu.memory_space<semaphore_mem>>) src(%arg10 : memref<120x128xf32, #tpu.memory_space<vmem>>) dst(%dma_wait3A_99 : memref<10240x128xf32, #tpu.memory_space<vmem_shared>>)
      tpu.yield
    }) : () -> ()
    %dma_wait3A_90 = arith.constant 0 : i32
    %dma_wait3A_91 = arith.constant 0 : i32
    %dma_wait3A_92 = tpu.memref_slice %arg2[%dma_wait3A_90, %dma_wait3A_91] : memref<10000x128xf32, #tpu.memory_space<hbm>> -> memref<10000x128xf32, #tpu.memory_space<hbm>>
    tpu.wait_indirect_dma semaphore(%arg16 : memref<!tpu.dma_semaphore, #tpu.memory_space<semaphore_mem>>) src(%dma_wait3A_92 : memref<10000x128xf32, #tpu.memory_space<hbm>>) dst(%arg11 : memref<120x128xf32, #tpu.memory_space<vmem>>)
    "tpu.region"() ({
      %run_scoped3A = tpu.sem_alloc : memref<!tpu.dma_semaphore, #tpu.memory_space<semaphore_mem>>
      %dma_start3A_94 = arith.constant 0 : i32
      %dma_start3A_95 = arith.constant 0 : i32
      %dma_start3A_96 = tpu.memref_slice %arg12[%dma_start3A_94, %dma_start3A_95] : memref<10240x128xf32, #tpu.memory_space<vmem_shared>> -> memref<10240x128xf32, #tpu.memory_space<vmem_shared>>
      tpu.enqueue_indirect_dma source(%arg11 : memref<120x128xf32, #tpu.memory_space<vmem>>) target(%dma_start3A_96 : memref<10240x128xf32, #tpu.memory_space<vmem_shared>>) offsets(%arg9 : memref<120xi32, #tpu.memory_space<vmem>>) semaphore(%run_scoped3A : memref<!tpu.dma_semaphore, #tpu.memory_space<semaphore_mem>>) {add = true}
      %dma_wait3A_97 = arith.constant 0 : i32
      %dma_wait3A_98 = arith.constant 0 : i32
      %dma_wait3A_99 = tpu.memref_slice %arg12[%dma_wait3A_97, %dma_wait3A_98] : memref<10240x128xf32, #tpu.memory_space<vmem_shared>> -> memref<10240x128xf32, #tpu.memory_space<vmem_shared>>
      tpu.wait_indirect_dma semaphore(%run_scoped3A : memref<!tpu.dma_semaphore, #tpu.memory_space<semaphore_mem>>) src(%arg11 : memref<120x128xf32, #tpu.memory_space<vmem>>) dst(%dma_wait3A_99 : memref<10240x128xf32, #tpu.memory_space<vmem_shared>>)
      tpu.yield
    }) : () -> ()
    %barrier3A_93 = arith.constant 0 : index
    tpu.barrier barrier_id(%barrier3A_93)
    "tpu.region"() ({
      %run_scoped3A = tpu.sem_alloc : memref<!tpu.dma_semaphore, #tpu.memory_space<semaphore_mem>>
      %dma_start3A_94 = arith.constant 0 : i32
      %dma_start3A_95 = tpu.memref_slice %arg5[%arg0, %mul3A_2, %dma_start3A_94] : memref<2x10240x128xf32, #tpu.memory_space<hbm>> -> memref<1x640x128xf32, #tpu.memory_space<hbm>>
      %dma_start3A_96 = tpu.memref_squeeze %dma_start3A_95 : memref<1x640x128xf32, #tpu.memory_space<hbm>> -> memref<640x128xf32, #tpu.memory_space<hbm>>
      %dma_start3A_97 = arith.constant 0 : i32
      %dma_start3A_98 = tpu.memref_slice %arg12[%mul3A_2, %dma_start3A_97] : memref<10240x128xf32, #tpu.memory_space<vmem_shared>> -> memref<640x128xf32, #tpu.memory_space<vmem_shared>>
      tpu.enqueue_dma source(%dma_start3A_98 : memref<640x128xf32, #tpu.memory_space<vmem_shared>>) target(%dma_start3A_96 : memref<640x128xf32, #tpu.memory_space<hbm>>) target_semaphore(%run_scoped3A : memref<!tpu.dma_semaphore, #tpu.memory_space<semaphore_mem>>)
      %dma_wait3A_99 = arith.constant 0 : i32
      %dma_wait3A_100 = tpu.memref_slice %arg5[%arg0, %mul3A_2, %dma_wait3A_99] : memref<2x10240x128xf32, #tpu.memory_space<hbm>> -> memref<1x640x128xf32, #tpu.memory_space<hbm>>
      %dma_wait3A_101 = tpu.memref_squeeze %dma_wait3A_100 : memref<1x640x128xf32, #tpu.memory_space<hbm>> -> memref<640x128xf32, #tpu.memory_space<hbm>>
      %dma_wait3A_102 = arith.constant 0 : i32
      %dma_wait3A_103 = tpu.memref_slice %arg12[%mul3A_2, %dma_wait3A_102] : memref<10240x128xf32, #tpu.memory_space<vmem_shared>> -> memref<640x128xf32, #tpu.memory_space<vmem_shared>>
      tpu.wait_dma2 semaphore(%run_scoped3A : memref<!tpu.dma_semaphore, #tpu.memory_space<semaphore_mem>>) src(%dma_wait3A_103 : memref<640x128xf32, #tpu.memory_space<vmem_shared>>) dst(%dma_wait3A_101 : memref<640x128xf32, #tpu.memory_space<hbm>>)
      tpu.yield
    }) : () -> ()
    return
  }
}

#map = affine_map<(d0, d1) -> (0, 0)>
#map1 = affine_map<(d0, d1) -> (0, 0, 0)>
module attributes {stable_mosaic.version = 14 : i64} {
  func.func @_edge_agg_body(%arg0: i32, %arg1: i32, %arg2: memref<10000x128xf32, #tpu.memory_space<hbm>>, %arg3: memref<32x84x120xi32, #tpu.memory_space<hbm>>, %arg4: memref<32x84x120xi32, #tpu.memory_space<hbm>>, %arg5: memref<2x10240x128xf32, #tpu.memory_space<hbm>>, %arg6: memref<120xi32, #tpu.memory_space<vmem>>, %arg7: memref<120xi32, #tpu.memory_space<vmem>>, %arg8: memref<120xi32, #tpu.memory_space<vmem>>, %arg9: memref<120xi32, #tpu.memory_space<vmem>>, %arg10: memref<120x128xf32, #tpu.memory_space<vmem>>, %arg11: memref<120x128xf32, #tpu.memory_space<vmem>>, %arg12: memref<10240x128xf32, #tpu.memory_space<vmem_shared>>, %arg13: memref<!tpu.dma_semaphore, #tpu.memory_space<semaphore_mem>>, %arg14: memref<!tpu.dma_semaphore, #tpu.memory_space<semaphore_mem>>, %arg15: memref<!tpu.dma_semaphore, #tpu.memory_space<semaphore_mem>>, %arg16: memref<!tpu.dma_semaphore, #tpu.memory_space<semaphore_mem>>) attributes {dimension_semantics = [#tpu.dimension_semantics<core_parallel>, #tpu.dimension_semantics<subcore_parallel>], iteration_bounds = array<i64: 2, 16>, scalar_prefetch = 0 : i64, scratch_operands = 11 : i64, tpu.core_type = #tpu.core_type<sc_vector_subcore>, window_params = [{transform_indices = #map}, {transform_indices = #map1}, {transform_indices = #map1}, {transform_indices = #map1}]} {
    %mul3A = arith.constant 16 : i32
    %mul3A_0 = arith.muli %arg0, %mul3A : i32
    %add3A = arith.addi %mul3A_0, %arg1 : i32
    %mul3A_1 = arith.constant 640 : i32
    %mul3A_2 = arith.muli %arg1, %mul3A_1 : i32
    %dma_start3A = arith.constant 0 : i32
    %dma_start3A_3 = arith.constant 0 : i32
    %dma_start3A_4 = tpu.memref_slice %arg3[%add3A, %dma_start3A, %dma_start3A_3] : memref<32x84x120xi32, #tpu.memory_space<hbm>> -> memref<1x1x120xi32, #tpu.memory_space<hbm>>
    %dma_start3A_5 = tpu.memref_squeeze %dma_start3A_4 : memref<1x1x120xi32, #tpu.memory_space<hbm>> -> memref<120xi32, #tpu.memory_space<hbm>>
    %dma_start3A_6 = arith.constant 0 : i32
    %dma_start3A_7 = tpu.memref_slice %arg3[%add3A, %dma_start3A, %dma_start3A_6] : memref<32x84x120xi32, #tpu.memory_space<hbm>> -> memref<1x1x120xi32, #tpu.memory_space<hbm>>
    %dma_start3A_8 = tpu.memref_squeeze %dma_start3A_7 : memref<1x1x120xi32, #tpu.memory_space<hbm>> -> memref<120xi32, #tpu.memory_space<hbm>>
    tpu.enqueue_dma source(%dma_start3A_8 : memref<120xi32, #tpu.memory_space<hbm>>) target(%arg6 : memref<120xi32, #tpu.memory_space<vmem>>) target_semaphore(%arg13 : memref<!tpu.dma_semaphore, #tpu.memory_space<semaphore_mem>>)
    %dma_start3A_9 = arith.constant 0 : i32
    %dma_start3A_10 = arith.constant 0 : i32
    %dma_start3A_11 = tpu.memref_slice %arg4[%add3A, %dma_start3A_9, %dma_start3A_10] : memref<32x84x120xi32, #tpu.memory_space<hbm>> -> memref<1x1x120xi32, #tpu.memory_space<hbm>>
    %dma_start3A_12 = tpu.memref_squeeze %dma_start3A_11 : memref<1x1x120xi32, #tpu.memory_space<hbm>> -> memref<120xi32, #tpu.memory_space<hbm>>
    %dma_start3A_13 = arith.constant 0 : i32
    %dma_start3A_14 = tpu.memref_slice %arg4[%add3A, %dma_start3A_9, %dma_start3A_13] : memref<32x84x120xi32, #tpu.memory_space<hbm>> -> memref<1x1x120xi32, #tpu.memory_space<hbm>>
    %dma_start3A_15 = tpu.memref_squeeze %dma_start3A_14 : memref<1x1x120xi32, #tpu.memory_space<hbm>> -> memref<120xi32, #tpu.memory_space<hbm>>
    tpu.enqueue_dma source(%dma_start3A_15 : memref<120xi32, #tpu.memory_space<hbm>>) target(%arg8 : memref<120xi32, #tpu.memory_space<vmem>>) target_semaphore(%arg13 : memref<!tpu.dma_semaphore, #tpu.memory_space<semaphore_mem>>)
    %dma_start3A_16 = arith.constant 1 : i32
    %dma_start3A_17 = arith.constant 0 : i32
    %dma_start3A_18 = tpu.memref_slice %arg3[%add3A, %dma_start3A_16, %dma_start3A_17] : memref<32x84x120xi32, #tpu.memory_space<hbm>> -> memref<1x1x120xi32, #tpu.memory_space<hbm>>
    %dma_start3A_19 = tpu.memref_squeeze %dma_start3A_18 : memref<1x1x120xi32, #tpu.memory_space<hbm>> -> memref<120xi32, #tpu.memory_space<hbm>>
    %dma_start3A_20 = arith.constant 0 : i32
    %dma_start3A_21 = tpu.memref_slice %arg3[%add3A, %dma_start3A_16, %dma_start3A_20] : memref<32x84x120xi32, #tpu.memory_space<hbm>> -> memref<1x1x120xi32, #tpu.memory_space<hbm>>
    %dma_start3A_22 = tpu.memref_squeeze %dma_start3A_21 : memref<1x1x120xi32, #tpu.memory_space<hbm>> -> memref<120xi32, #tpu.memory_space<hbm>>
    tpu.enqueue_dma source(%dma_start3A_22 : memref<120xi32, #tpu.memory_space<hbm>>) target(%arg7 : memref<120xi32, #tpu.memory_space<vmem>>) target_semaphore(%arg14 : memref<!tpu.dma_semaphore, #tpu.memory_space<semaphore_mem>>)
    %dma_start3A_23 = arith.constant 1 : i32
    %dma_start3A_24 = arith.constant 0 : i32
    %dma_start3A_25 = tpu.memref_slice %arg4[%add3A, %dma_start3A_23, %dma_start3A_24] : memref<32x84x120xi32, #tpu.memory_space<hbm>> -> memref<1x1x120xi32, #tpu.memory_space<hbm>>
    %dma_start3A_26 = tpu.memref_squeeze %dma_start3A_25 : memref<1x1x120xi32, #tpu.memory_space<hbm>> -> memref<120xi32, #tpu.memory_space<hbm>>
    %dma_start3A_27 = arith.constant 0 : i32
    %dma_start3A_28 = tpu.memref_slice %arg4[%add3A, %dma_start3A_23, %dma_start3A_27] : memref<32x84x120xi32, #tpu.memory_space<hbm>> -> memref<1x1x120xi32, #tpu.memory_space<hbm>>
    %dma_start3A_29 = tpu.memref_squeeze %dma_start3A_28 : memref<1x1x120xi32, #tpu.memory_space<hbm>> -> memref<120xi32, #tpu.memory_space<hbm>>
    tpu.enqueue_dma source(%dma_start3A_29 : memref<120xi32, #tpu.memory_space<hbm>>) target(%arg9 : memref<120xi32, #tpu.memory_space<vmem>>) target_semaphore(%arg14 : memref<!tpu.dma_semaphore, #tpu.memory_space<semaphore_mem>>)
    %broadcast_in_dim3A = arith.constant 0.000000e+00 : f32
    %broadcast_in_dim3A_30 = vector.broadcast %broadcast_in_dim3A : f32 to vector<16xf32>
    %scan3A = arith.constant 0 : i32
    %scan3A_31 = arith.constant 0 : i32
    %scan3A_32 = arith.constant 960 : i32
    %scan3A_33 = arith.addi %scan3A_31, %scan3A_32 : i32
    %scan3A_34 = arith.constant 1 : i32
    scf.for %scan3A_94 = %scan3A_31 to %scan3A_33 step %scan3A_34  : i32 {
      %jit3A = arith.constant 8 : i32
      %div3A = arith.divsi %scan3A_94, %jit3A : i32
      %sign3A = arith.constant 0 : i32
      %sign3A_95 = arith.cmpi sgt, %scan3A_94, %sign3A : i32
      %sign3A_96 = arith.extui %sign3A_95 : i1 to i32
      %sign3A_97 = arith.constant 0 : i32
      %sign3A_98 = arith.cmpi slt, %scan3A_94, %sign3A_97 : i32
      %sign3A_99 = arith.extui %sign3A_98 : i1 to i32
      %sign3A_100 = arith.subi %sign3A_96, %sign3A_99 : i32
      %sign3A_101 = arith.constant 0 : i32
      %sign3A_102 = arith.cmpi sgt, %jit3A, %sign3A_101 : i32
      %sign3A_103 = arith.extui %sign3A_102 : i1 to i32
      %sign3A_104 = arith.constant 0 : i32
      %sign3A_105 = arith.cmpi slt, %jit3A, %sign3A_104 : i32
      %sign3A_106 = arith.extui %sign3A_105 : i1 to i32
      %sign3A_107 = arith.subi %sign3A_103, %sign3A_106 : i32
      %ne3A = arith.cmpi ne, %sign3A_100, %sign3A_107 : i32
      %rem3A = arith.remsi %scan3A_94, %jit3A : i32
      %ne3A_108 = arith.constant 0 : i32
      %ne3A_109 = arith.cmpi ne, %rem3A, %ne3A_108 : i32
      %and3A = arith.andi %ne3A, %ne3A_109 : i1
      %sub3A = arith.constant 1 : i32
      %sub3A_110 = arith.subi %div3A, %sub3A : i32
      %select_n3A = arith.select %and3A, %sub3A_110, %div3A : i32
      %jit3A_111 = arith.constant 8 : i32
      %eq3A = arith.constant 0 : i32
      %eq3A_112 = arith.cmpi eq, %jit3A_111, %eq3A : i32
      %jit3A_113 = arith.constant 1 : i32
      %select_n3A_114 = arith.select %eq3A_112, %jit3A_113, %jit3A_111 : i32
      %rem3A_115 = arith.remsi %scan3A_94, %select_n3A_114 : i32
      %ne3A_116 = arith.constant 0 : i32
      %ne3A_117 = arith.cmpi ne, %rem3A_115, %ne3A_116 : i32
      %lt3A = arith.constant 0 : i32
      %lt3A_118 = arith.cmpi slt, %rem3A_115, %lt3A : i32
      %lt3A_119 = arith.constant 0 : i32
      %lt3A_120 = arith.cmpi slt, %select_n3A_114, %lt3A_119 : i32
      %ne3A_121 = arith.xori %lt3A_118, %lt3A_120 : i1
      %and3A_122 = arith.andi %ne3A_121, %ne3A_117 : i1
      %add3A_123 = arith.addi %rem3A_115, %select_n3A_114 : i32
      %select_n3A_124 = arith.select %and3A_122, %add3A_123, %rem3A_115 : i32
      %mul3A_125 = arith.constant 16 : i32
      %mul3A_126 = arith.muli %select_n3A_124, %mul3A_125 : i32
      %swap3A = arith.index_cast %select_n3A : i32 to index
      %swap3A_127 = arith.index_cast %mul3A_126 : i32 to index
      %swap3A_128 = tpu.vector_load %arg10[%swap3A, %swap3A_127] {strides = array<i32>} : memref<120x128xf32, #tpu.memory_space<vmem>>, vector<1x16xf32>,
      %swap3A_129 = vector.shape_cast %swap3A_128 : vector<1x16xf32> to vector<16xf32>
      %swap3A_130 = vector.shape_cast %broadcast_in_dim3A_30 : vector<16xf32> to vector<1x16xf32>
      tpu.vector_store %arg10[%swap3A, %swap3A_127], %swap3A_130 {strides = array<i32>} : memref<120x128xf32, #tpu.memory_space<vmem>>, vector<1x16xf32>,
    }
    %scan3A_35 = arith.constant 960 : i32
    %add3A_36 = arith.constant 0 : i32
    %add3A_37 = arith.addi %mul3A_2, %add3A_36 : i32
    "tpu.region"() ({
      %run_scoped3A = tpu.sem_alloc : memref<!tpu.dma_semaphore, #tpu.memory_space<semaphore_mem>>
      %dma_start3A_94 = arith.constant 0 : i32
      %dma_start3A_95 = tpu.memref_slice %arg12[%add3A_37, %dma_start3A_94] : memref<10240x128xf32, #tpu.memory_space<vmem_shared>> -> memref<120x128xf32, #tpu.memory_space<vmem_shared>>
      %dma_start3A_96 = arith.constant 0 : i32
      %dma_start3A_97 = tpu.memref_slice %arg12[%add3A_37, %dma_start3A_96] : memref<10240x128xf32, #tpu.memory_space<vmem_shared>> -> memref<120x128xf32, #tpu.memory_space<vmem_shared>>
      tpu.enqueue_dma source(%arg10 : memref<120x128xf32, #tpu.memory_space<vmem>>) target(%dma_start3A_97 : memref<120x128xf32, #tpu.memory_space<vmem_shared>>) target_semaphore(%run_scoped3A : memref<!tpu.dma_semaphore, #tpu.memory_space<semaphore_mem>>)
      %dma_wait3A_98 = arith.constant 0 : i32
      %dma_wait3A_99 = tpu.memref_slice %arg12[%add3A_37, %dma_wait3A_98] : memref<10240x128xf32, #tpu.memory_space<vmem_shared>> -> memref<120x128xf32, #tpu.memory_space<vmem_shared>>
      %dma_wait3A_100 = arith.constant 0 : i32
      %dma_wait3A_101 = tpu.memref_slice %arg12[%add3A_37, %dma_wait3A_100] : memref<10240x128xf32, #tpu.memory_space<vmem_shared>> -> memref<120x128xf32, #tpu.memory_space<vmem_shared>>
      tpu.wait_dma2 semaphore(%run_scoped3A : memref<!tpu.dma_semaphore, #tpu.memory_space<semaphore_mem>>) src(%arg10 : memref<120x128xf32, #tpu.memory_space<vmem>>) dst(%dma_wait3A_101 : memref<120x128xf32, #tpu.memory_space<vmem_shared>>)
      tpu.yield
    }) : () -> ()
    %add3A_38 = arith.constant 120 : i32
    %add3A_39 = arith.addi %mul3A_2, %add3A_38 : i32
    "tpu.region"() ({
      %run_scoped3A = tpu.sem_alloc : memref<!tpu.dma_semaphore, #tpu.memory_space<semaphore_mem>>
      %dma_start3A_94 = arith.constant 0 : i32
      %dma_start3A_95 = tpu.memref_slice %arg12[%add3A_39, %dma_start3A_94] : memref<10240x128xf32, #tpu.memory_space<vmem_shared>> -> memref<120x128xf32, #tpu.memory_space<vmem_shared>>
      %dma_start3A_96 = arith.constant 0 : i32
      %dma_start3A_97 = tpu.memref_slice %arg12[%add3A_39, %dma_start3A_96] : memref<10240x128xf32, #tpu.memory_space<vmem_shared>> -> memref<120x128xf32, #tpu.memory_space<vmem_shared>>
      tpu.enqueue_dma source(%arg10 : memref<120x128xf32, #tpu.memory_space<vmem>>) target(%dma_start3A_97 : memref<120x128xf32, #tpu.memory_space<vmem_shared>>) target_semaphore(%run_scoped3A : memref<!tpu.dma_semaphore, #tpu.memory_space<semaphore_mem>>)
      %dma_wait3A_98 = arith.constant 0 : i32
      %dma_wait3A_99 = tpu.memref_slice %arg12[%add3A_39, %dma_wait3A_98] : memref<10240x128xf32, #tpu.memory_space<vmem_shared>> -> memref<120x128xf32, #tpu.memory_space<vmem_shared>>
      %dma_wait3A_100 = arith.constant 0 : i32
      %dma_wait3A_101 = tpu.memref_slice %arg12[%add3A_39, %dma_wait3A_100] : memref<10240x128xf32, #tpu.memory_space<vmem_shared>> -> memref<120x128xf32, #tpu.memory_space<vmem_shared>>
      tpu.wait_dma2 semaphore(%run_scoped3A : memref<!tpu.dma_semaphore, #tpu.memory_space<semaphore_mem>>) src(%arg10 : memref<120x128xf32, #tpu.memory_space<vmem>>) dst(%dma_wait3A_101 : memref<120x128xf32, #tpu.memory_space<vmem_shared>>)
      tpu.yield
    }) : () -> ()
    %add3A_40 = arith.constant 240 : i32
    %add3A_41 = arith.addi %mul3A_2, %add3A_40 : i32
    "tpu.region"() ({
      %run_scoped3A = tpu.sem_alloc : memref<!tpu.dma_semaphore, #tpu.memory_space<semaphore_mem>>
      %dma_start3A_94 = arith.constant 0 : i32
      %dma_start3A_95 = tpu.memref_slice %arg12[%add3A_41, %dma_start3A_94] : memref<10240x128xf32, #tpu.memory_space<vmem_shared>> -> memref<120x128xf32, #tpu.memory_space<vmem_shared>>
      %dma_start3A_96 = arith.constant 0 : i32
      %dma_start3A_97 = tpu.memref_slice %arg12[%add3A_41, %dma_start3A_96] : memref<10240x128xf32, #tpu.memory_space<vmem_shared>> -> memref<120x128xf32, #tpu.memory_space<vmem_shared>>
      tpu.enqueue_dma source(%arg10 : memref<120x128xf32, #tpu.memory_space<vmem>>) target(%dma_start3A_97 : memref<120x128xf32, #tpu.memory_space<vmem_shared>>) target_semaphore(%run_scoped3A : memref<!tpu.dma_semaphore, #tpu.memory_space<semaphore_mem>>)
      %dma_wait3A_98 = arith.constant 0 : i32
      %dma_wait3A_99 = tpu.memref_slice %arg12[%add3A_41, %dma_wait3A_98] : memref<10240x128xf32, #tpu.memory_space<vmem_shared>> -> memref<120x128xf32, #tpu.memory_space<vmem_shared>>
      %dma_wait3A_100 = arith.constant 0 : i32
      %dma_wait3A_101 = tpu.memref_slice %arg12[%add3A_41, %dma_wait3A_100] : memref<10240x128xf32, #tpu.memory_space<vmem_shared>> -> memref<120x128xf32, #tpu.memory_space<vmem_shared>>
      tpu.wait_dma2 semaphore(%run_scoped3A : memref<!tpu.dma_semaphore, #tpu.memory_space<semaphore_mem>>) src(%arg10 : memref<120x128xf32, #tpu.memory_space<vmem>>) dst(%dma_wait3A_101 : memref<120x128xf32, #tpu.memory_space<vmem_shared>>)
      tpu.yield
    }) : () -> ()
    %add3A_42 = arith.constant 360 : i32
    %add3A_43 = arith.addi %mul3A_2, %add3A_42 : i32
    "tpu.region"() ({
      %run_scoped3A = tpu.sem_alloc : memref<!tpu.dma_semaphore, #tpu.memory_space<semaphore_mem>>
      %dma_start3A_94 = arith.constant 0 : i32
      %dma_start3A_95 = tpu.memref_slice %arg12[%add3A_43, %dma_start3A_94] : memref<10240x128xf32, #tpu.memory_space<vmem_shared>> -> memref<120x128xf32, #tpu.memory_space<vmem_shared>>
      %dma_start3A_96 = arith.constant 0 : i32
      %dma_start3A_97 = tpu.memref_slice %arg12[%add3A_43, %dma_start3A_96] : memref<10240x128xf32, #tpu.memory_space<vmem_shared>> -> memref<120x128xf32, #tpu.memory_space<vmem_shared>>
      tpu.enqueue_dma source(%arg10 : memref<120x128xf32, #tpu.memory_space<vmem>>) target(%dma_start3A_97 : memref<120x128xf32, #tpu.memory_space<vmem_shared>>) target_semaphore(%run_scoped3A : memref<!tpu.dma_semaphore, #tpu.memory_space<semaphore_mem>>)
      %dma_wait3A_98 = arith.constant 0 : i32
      %dma_wait3A_99 = tpu.memref_slice %arg12[%add3A_43, %dma_wait3A_98] : memref<10240x128xf32, #tpu.memory_space<vmem_shared>> -> memref<120x128xf32, #tpu.memory_space<vmem_shared>>
      %dma_wait3A_100 = arith.constant 0 : i32
      %dma_wait3A_101 = tpu.memref_slice %arg12[%add3A_43, %dma_wait3A_100] : memref<10240x128xf32, #tpu.memory_space<vmem_shared>> -> memref<120x128xf32, #tpu.memory_space<vmem_shared>>
      tpu.wait_dma2 semaphore(%run_scoped3A : memref<!tpu.dma_semaphore, #tpu.memory_space<semaphore_mem>>) src(%arg10 : memref<120x128xf32, #tpu.memory_space<vmem>>) dst(%dma_wait3A_101 : memref<120x128xf32, #tpu.memory_space<vmem_shared>>)
      tpu.yield
    }) : () -> ()
    %add3A_44 = arith.constant 480 : i32
    %add3A_45 = arith.addi %mul3A_2, %add3A_44 : i32
    "tpu.region"() ({
      %run_scoped3A = tpu.sem_alloc : memref<!tpu.dma_semaphore, #tpu.memory_space<semaphore_mem>>
      %dma_start3A_94 = arith.constant 0 : i32
      %dma_start3A_95 = tpu.memref_slice %arg12[%add3A_45, %dma_start3A_94] : memref<10240x128xf32, #tpu.memory_space<vmem_shared>> -> memref<120x128xf32, #tpu.memory_space<vmem_shared>>
      %dma_start3A_96 = arith.constant 0 : i32
      %dma_start3A_97 = tpu.memref_slice %arg12[%add3A_45, %dma_start3A_96] : memref<10240x128xf32, #tpu.memory_space<vmem_shared>> -> memref<120x128xf32, #tpu.memory_space<vmem_shared>>
      tpu.enqueue_dma source(%arg10 : memref<120x128xf32, #tpu.memory_space<vmem>>) target(%dma_start3A_97 : memref<120x128xf32, #tpu.memory_space<vmem_shared>>) target_semaphore(%run_scoped3A : memref<!tpu.dma_semaphore, #tpu.memory_space<semaphore_mem>>)
      %dma_wait3A_98 = arith.constant 0 : i32
      %dma_wait3A_99 = tpu.memref_slice %arg12[%add3A_45, %dma_wait3A_98] : memref<10240x128xf32, #tpu.memory_space<vmem_shared>> -> memref<120x128xf32, #tpu.memory_space<vmem_shared>>
      %dma_wait3A_100 = arith.constant 0 : i32
      %dma_wait3A_101 = tpu.memref_slice %arg12[%add3A_45, %dma_wait3A_100] : memref<10240x128xf32, #tpu.memory_space<vmem_shared>> -> memref<120x128xf32, #tpu.memory_space<vmem_shared>>
      tpu.wait_dma2 semaphore(%run_scoped3A : memref<!tpu.dma_semaphore, #tpu.memory_space<semaphore_mem>>) src(%arg10 : memref<120x128xf32, #tpu.memory_space<vmem>>) dst(%dma_wait3A_101 : memref<120x128xf32, #tpu.memory_space<vmem_shared>>)
      tpu.yield
    }) : () -> ()
    %add3A_46 = arith.constant 600 : i32
    %add3A_47 = arith.addi %mul3A_2, %add3A_46 : i32
    "tpu.region"() ({
      %run_scoped3A = tpu.sem_alloc : memref<!tpu.dma_semaphore, #tpu.memory_space<semaphore_mem>>
      %dma_start3A_94 = arith.constant 0 : i32
      %dma_start3A_95 = arith.constant 0 : i32
      %dma_start3A_96 = tpu.memref_slice %arg10[%dma_start3A_94, %dma_start3A_95] : memref<120x128xf32, #tpu.memory_space<vmem>> -> memref<40x128xf32, #tpu.memory_space<vmem>>
      %dma_start3A_97 = arith.constant 0 : i32
      %dma_start3A_98 = tpu.memref_slice %arg12[%add3A_47, %dma_start3A_97] : memref<10240x128xf32, #tpu.memory_space<vmem_shared>> -> memref<40x128xf32, #tpu.memory_space<vmem_shared>>
      %dma_start3A_99 = arith.constant 0 : i32
      %dma_start3A_100 = tpu.memref_slice %arg12[%add3A_47, %dma_start3A_99] : memref<10240x128xf32, #tpu.memory_space<vmem_shared>> -> memref<40x128xf32, #tpu.memory_space<vmem_shared>>
      %dma_start3A_101 = arith.constant 0 : i32
      %dma_start3A_102 = arith.constant 0 : i32
      %dma_start3A_103 = tpu.memref_slice %arg10[%dma_start3A_101, %dma_start3A_102] : memref<120x128xf32, #tpu.memory_space<vmem>> -> memref<40x128xf32, #tpu.memory_space<vmem>>
      tpu.enqueue_dma source(%dma_start3A_103 : memref<40x128xf32, #tpu.memory_space<vmem>>) target(%dma_start3A_100 : memref<40x128xf32, #tpu.memory_space<vmem_shared>>) target_semaphore(%run_scoped3A : memref<!tpu.dma_semaphore, #tpu.memory_space<semaphore_mem>>)
      %dma_wait3A_104 = arith.constant 0 : i32
      %dma_wait3A_105 = arith.constant 0 : i32
      %dma_wait3A_106 = tpu.memref_slice %arg10[%dma_wait3A_104, %dma_wait3A_105] : memref<120x128xf32, #tpu.memory_space<vmem>> -> memref<40x128xf32, #tpu.memory_space<vmem>>
      %dma_wait3A_107 = arith.constant 0 : i32
      %dma_wait3A_108 = tpu.memref_slice %arg12[%add3A_47, %dma_wait3A_107] : memref<10240x128xf32, #tpu.memory_space<vmem_shared>> -> memref<40x128xf32, #tpu.memory_space<vmem_shared>>
      %dma_wait3A_109 = arith.constant 0 : i32
      %dma_wait3A_110 = tpu.memref_slice %arg12[%add3A_47, %dma_wait3A_109] : memref<10240x128xf32, #tpu.memory_space<vmem_shared>> -> memref<40x128xf32, #tpu.memory_space<vmem_shared>>
      %dma_wait3A_111 = arith.constant 0 : i32
      %dma_wait3A_112 = arith.constant 0 : i32
      %dma_wait3A_113 = tpu.memref_slice %arg10[%dma_wait3A_111, %dma_wait3A_112] : memref<120x128xf32, #tpu.memory_space<vmem>> -> memref<40x128xf32, #tpu.memory_space<vmem>>
      tpu.wait_dma2 semaphore(%run_scoped3A : memref<!tpu.dma_semaphore, #tpu.memory_space<semaphore_mem>>) src(%dma_wait3A_113 : memref<40x128xf32, #tpu.memory_space<vmem>>) dst(%dma_wait3A_110 : memref<40x128xf32, #tpu.memory_space<vmem_shared>>)
      tpu.yield
    }) : () -> ()
    %barrier3A = arith.constant 0 : index
    tpu.barrier barrier_id(%barrier3A)
    %scan3A_48 = arith.constant 0 : i32
    %scan3A_49 = arith.constant 0 : i32
    %scan3A_50 = arith.constant 41 : i32
    %scan3A_51 = arith.addi %scan3A_49, %scan3A_50 : i32
    %scan3A_52 = arith.constant 1 : i32
    scf.for %scan3A_94 = %scan3A_49 to %scan3A_51 step %scan3A_52  : i32 {
      %mul3A_95 = arith.constant 2 : i32
      %mul3A_96 = arith.muli %scan3A_94, %mul3A_95 : i32
      %add3A_97 = arith.constant 0 : i32
      %add3A_98 = arith.addi %mul3A_96, %add3A_97 : i32
      %dma_wait3A_99 = arith.constant 0 : i32
      %dma_wait3A_100 = tpu.memref_slice %arg3[%add3A, %add3A_98, %dma_wait3A_99] : memref<32x84x120xi32, #tpu.memory_space<hbm>> -> memref<1x1x120xi32, #tpu.memory_space<hbm>>
      %dma_wait3A_101 = tpu.memref_squeeze %dma_wait3A_100 : memref<1x1x120xi32, #tpu.memory_space<hbm>> -> memref<120xi32, #tpu.memory_space<hbm>>
      %dma_wait3A_102 = arith.constant 0 : i32
      %dma_wait3A_103 = tpu.memref_slice %arg3[%add3A, %add3A_98, %dma_wait3A_102] : memref<32x84x120xi32, #tpu.memory_space<hbm>> -> memref<1x1x120xi32, #tpu.memory_space<hbm>>
      %dma_wait3A_104 = tpu.memref_squeeze %dma_wait3A_103 : memref<1x1x120xi32, #tpu.memory_space<hbm>> -> memref<120xi32, #tpu.memory_space<hbm>>
      tpu.wait_dma2 semaphore(%arg13 : memref<!tpu.dma_semaphore, #tpu.memory_space<semaphore_mem>>) src(%dma_wait3A_104 : memref<120xi32, #tpu.memory_space<hbm>>) dst(%arg6 : memref<120xi32, #tpu.memory_space<vmem>>)
      %dma_wait3A_105 = arith.constant 0 : i32
      %dma_wait3A_106 = tpu.memref_slice %arg4[%add3A, %add3A_98, %dma_wait3A_105] : memref<32x84x120xi32, #tpu.memory_space<hbm>> -> memref<1x1x120xi32, #tpu.memory_space<hbm>>
      %dma_wait3A_107 = tpu.memref_squeeze %dma_wait3A_106 : memref<1x1x120xi32, #tpu.memory_space<hbm>> -> memref<120xi32, #tpu.memory_space<hbm>>
      %dma_wait3A_108 = arith.constant 0 : i32
      %dma_wait3A_109 = tpu.memref_slice %arg4[%add3A, %add3A_98, %dma_wait3A_108] : memref<32x84x120xi32, #tpu.memory_space<hbm>> -> memref<1x1x120xi32, #tpu.memory_space<hbm>>
      %dma_wait3A_110 = tpu.memref_squeeze %dma_wait3A_109 : memref<1x1x120xi32, #tpu.memory_space<hbm>> -> memref<120xi32, #tpu.memory_space<hbm>>
      tpu.wait_dma2 semaphore(%arg13 : memref<!tpu.dma_semaphore, #tpu.memory_space<semaphore_mem>>) src(%dma_wait3A_110 : memref<120xi32, #tpu.memory_space<hbm>>) dst(%arg8 : memref<120xi32, #tpu.memory_space<vmem>>)
      %dma_start3A_111 = arith.constant 0 : i32
      %dma_start3A_112 = arith.constant 0 : i32
      %dma_start3A_113 = tpu.memref_slice %arg2[%dma_start3A_111, %dma_start3A_112] : memref<10000x128xf32, #tpu.memory_space<hbm>> -> memref<10000x128xf32, #tpu.memory_space<hbm>>
      tpu.enqueue_indirect_dma source(%dma_start3A_113 : memref<10000x128xf32, #tpu.memory_space<hbm>>) target(%arg10 : memref<120x128xf32, #tpu.memory_space<vmem>>) offsets(%arg6 : memref<120xi32, #tpu.memory_space<vmem>>) semaphore(%arg15 : memref<!tpu.dma_semaphore, #tpu.memory_space<semaphore_mem>>)
      %add3A_114 = arith.constant 1 : i32
      %add3A_115 = arith.addi %mul3A_96, %add3A_114 : i32
      %dma_wait3A_116 = arith.constant 0 : i32
      %dma_wait3A_117 = tpu.memref_slice %arg3[%add3A, %add3A_115, %dma_wait3A_116] : memref<32x84x120xi32, #tpu.memory_space<hbm>> -> memref<1x1x120xi32, #tpu.memory_space<hbm>>
      %dma_wait3A_118 = tpu.memref_squeeze %dma_wait3A_117 : memref<1x1x120xi32, #tpu.memory_space<hbm>> -> memref<120xi32, #tpu.memory_space<hbm>>
      %dma_wait3A_119 = arith.constant 0 : i32
      %dma_wait3A_120 = tpu.memref_slice %arg3[%add3A, %add3A_115, %dma_wait3A_119] : memref<32x84x120xi32, #tpu.memory_space<hbm>> -> memref<1x1x120xi32, #tpu.memory_space<hbm>>
      %dma_wait3A_121 = tpu.memref_squeeze %dma_wait3A_120 : memref<1x1x120xi32, #tpu.memory_space<hbm>> -> memref<120xi32, #tpu.memory_space<hbm>>
      tpu.wait_dma2 semaphore(%arg14 : memref<!tpu.dma_semaphore, #tpu.memory_space<semaphore_mem>>) src(%dma_wait3A_121 : memref<120xi32, #tpu.memory_space<hbm>>) dst(%arg7 : memref<120xi32, #tpu.memory_space<vmem>>)
      %dma_wait3A_122 = arith.constant 0 : i32
      %dma_wait3A_123 = tpu.memref_slice %arg4[%add3A, %add3A_115, %dma_wait3A_122] : memref<32x84x120xi32, #tpu.memory_space<hbm>> -> memref<1x1x120xi32, #tpu.memory_space<hbm>>
      %dma_wait3A_124 = tpu.memref_squeeze %dma_wait3A_123 : memref<1x1x120xi32, #tpu.memory_space<hbm>> -> memref<120xi32, #tpu.memory_space<hbm>>
      %dma_wait3A_125 = arith.constant 0 : i32
      %dma_wait3A_126 = tpu.memref_slice %arg4[%add3A, %add3A_115, %dma_wait3A_125] : memref<32x84x120xi32, #tpu.memory_space<hbm>> -> memref<1x1x120xi32, #tpu.memory_space<hbm>>
      %dma_wait3A_127 = tpu.memref_squeeze %dma_wait3A_126 : memref<1x1x120xi32, #tpu.memory_space<hbm>> -> memref<120xi32, #tpu.memory_space<hbm>>
      tpu.wait_dma2 semaphore(%arg14 : memref<!tpu.dma_semaphore, #tpu.memory_space<semaphore_mem>>) src(%dma_wait3A_127 : memref<120xi32, #tpu.memory_space<hbm>>) dst(%arg9 : memref<120xi32, #tpu.memory_space<vmem>>)
      %dma_start3A_128 = arith.constant 0 : i32
      %dma_start3A_129 = arith.constant 0 : i32
      %dma_start3A_130 = tpu.memref_slice %arg2[%dma_start3A_128, %dma_start3A_129] : memref<10000x128xf32, #tpu.memory_space<hbm>> -> memref<10000x128xf32, #tpu.memory_space<hbm>>
      tpu.enqueue_indirect_dma source(%dma_start3A_130 : memref<10000x128xf32, #tpu.memory_space<hbm>>) target(%arg11 : memref<120x128xf32, #tpu.memory_space<vmem>>) offsets(%arg7 : memref<120xi32, #tpu.memory_space<vmem>>) semaphore(%arg16 : memref<!tpu.dma_semaphore, #tpu.memory_space<semaphore_mem>>)
      %dma_wait3A_131 = arith.constant 0 : i32
      %dma_wait3A_132 = arith.constant 0 : i32
      %dma_wait3A_133 = tpu.memref_slice %arg2[%dma_wait3A_131, %dma_wait3A_132] : memref<10000x128xf32, #tpu.memory_space<hbm>> -> memref<10000x128xf32, #tpu.memory_space<hbm>>
      tpu.wait_indirect_dma semaphore(%arg15 : memref<!tpu.dma_semaphore, #tpu.memory_space<semaphore_mem>>) src(%dma_wait3A_133 : memref<10000x128xf32, #tpu.memory_space<hbm>>) dst(%arg10 : memref<120x128xf32, #tpu.memory_space<vmem>>)
      "tpu.region"() ({
        %run_scoped3A = tpu.sem_alloc : memref<!tpu.dma_semaphore, #tpu.memory_space<semaphore_mem>>
        %dma_start3A_169 = arith.constant 0 : i32
        %dma_start3A_170 = arith.constant 0 : i32
        %dma_start3A_171 = tpu.memref_slice %arg12[%dma_start3A_169, %dma_start3A_170] : memref<10240x128xf32, #tpu.memory_space<vmem_shared>> -> memref<10240x128xf32, #tpu.memory_space<vmem_shared>>
        tpu.enqueue_indirect_dma source(%arg10 : memref<120x128xf32, #tpu.memory_space<vmem>>) target(%dma_start3A_171 : memref<10240x128xf32, #tpu.memory_space<vmem_shared>>) offsets(%arg8 : memref<120xi32, #tpu.memory_space<vmem>>) semaphore(%run_scoped3A : memref<!tpu.dma_semaphore, #tpu.memory_space<semaphore_mem>>) {add = true}
        %dma_wait3A_172 = arith.constant 0 : i32
        %dma_wait3A_173 = arith.constant 0 : i32
        %dma_wait3A_174 = tpu.memref_slice %arg12[%dma_wait3A_172, %dma_wait3A_173] : memref<10240x128xf32, #tpu.memory_space<vmem_shared>> -> memref<10240x128xf32, #tpu.memory_space<vmem_shared>>
        tpu.wait_indirect_dma semaphore(%run_scoped3A : memref<!tpu.dma_semaphore, #tpu.memory_space<semaphore_mem>>) src(%arg10 : memref<120x128xf32, #tpu.memory_space<vmem>>) dst(%dma_wait3A_174 : memref<10240x128xf32, #tpu.memory_space<vmem_shared>>)
        tpu.yield
      }) : () -> ()
      %add3A_134 = arith.constant 2 : i32
      %add3A_135 = arith.addi %mul3A_96, %add3A_134 : i32
      %add3A_136 = arith.constant 0 : i32
      %add3A_137 = arith.addi %add3A_135, %add3A_136 : i32
      %dma_start3A_138 = arith.constant 0 : i32
      %dma_start3A_139 = tpu.memref_slice %arg3[%add3A, %add3A_137, %dma_start3A_138] : memref<32x84x120xi32, #tpu.memory_space<hbm>> -> memref<1x1x120xi32, #tpu.memory_space<hbm>>
      %dma_start3A_140 = tpu.memref_squeeze %dma_start3A_139 : memref<1x1x120xi32, #tpu.memory_space<hbm>> -> memref<120xi32, #tpu.memory_space<hbm>>
      %dma_start3A_141 = arith.constant 0 : i32
      %dma_start3A_142 = tpu.memref_slice %arg3[%add3A, %add3A_137, %dma_start3A_141] : memref<32x84x120xi32, #tpu.memory_space<hbm>> -> memref<1x1x120xi32, #tpu.memory_space<hbm>>
      %dma_start3A_143 = tpu.memref_squeeze %dma_start3A_142 : memref<1x1x120xi32, #tpu.memory_space<hbm>> -> memref<120xi32, #tpu.memory_space<hbm>>
      tpu.enqueue_dma source(%dma_start3A_143 : memref<120xi32, #tpu.memory_space<hbm>>) target(%arg6 : memref<120xi32, #tpu.memory_space<vmem>>) target_semaphore(%arg13 : memref<!tpu.dma_semaphore, #tpu.memory_space<semaphore_mem>>)
      %dma_start3A_144 = arith.constant 0 : i32
      %dma_start3A_145 = tpu.memref_slice %arg4[%add3A, %add3A_137, %dma_start3A_144] : memref<32x84x120xi32, #tpu.memory_space<hbm>> -> memref<1x1x120xi32, #tpu.memory_space<hbm>>
      %dma_start3A_146 = tpu.memref_squeeze %dma_start3A_145 : memref<1x1x120xi32, #tpu.memory_space<hbm>> -> memref<120xi32, #tpu.memory_space<hbm>>
      %dma_start3A_147 = arith.constant 0 : i32
      %dma_start3A_148 = tpu.memref_slice %arg4[%add3A, %add3A_137, %dma_start3A_147] : memref<32x84x120xi32, #tpu.memory_space<hbm>> -> memref<1x1x120xi32, #tpu.memory_space<hbm>>
      %dma_start3A_149 = tpu.memref_squeeze %dma_start3A_148 : memref<1x1x120xi32, #tpu.memory_space<hbm>> -> memref<120xi32, #tpu.memory_space<hbm>>
      tpu.enqueue_dma source(%dma_start3A_149 : memref<120xi32, #tpu.memory_space<hbm>>) target(%arg8 : memref<120xi32, #tpu.memory_space<vmem>>) target_semaphore(%arg13 : memref<!tpu.dma_semaphore, #tpu.memory_space<semaphore_mem>>)
      %dma_wait3A_150 = arith.constant 0 : i32
      %dma_wait3A_151 = arith.constant 0 : i32
      %dma_wait3A_152 = tpu.memref_slice %arg2[%dma_wait3A_150, %dma_wait3A_151] : memref<10000x128xf32, #tpu.memory_space<hbm>> -> memref<10000x128xf32, #tpu.memory_space<hbm>>
      tpu.wait_indirect_dma semaphore(%arg16 : memref<!tpu.dma_semaphore, #tpu.memory_space<semaphore_mem>>) src(%dma_wait3A_152 : memref<10000x128xf32, #tpu.memory_space<hbm>>) dst(%arg11 : memref<120x128xf32, #tpu.memory_space<vmem>>)
      "tpu.region"() ({
        %run_scoped3A = tpu.sem_alloc : memref<!tpu.dma_semaphore, #tpu.memory_space<semaphore_mem>>
        %dma_start3A_169 = arith.constant 0 : i32
        %dma_start3A_170 = arith.constant 0 : i32
        %dma_start3A_171 = tpu.memref_slice %arg12[%dma_start3A_169, %dma_start3A_170] : memref<10240x128xf32, #tpu.memory_space<vmem_shared>> -> memref<10240x128xf32, #tpu.memory_space<vmem_shared>>
        tpu.enqueue_indirect_dma source(%arg11 : memref<120x128xf32, #tpu.memory_space<vmem>>) target(%dma_start3A_171 : memref<10240x128xf32, #tpu.memory_space<vmem_shared>>) offsets(%arg9 : memref<120xi32, #tpu.memory_space<vmem>>) semaphore(%run_scoped3A : memref<!tpu.dma_semaphore, #tpu.memory_space<semaphore_mem>>) {add = true}
        %dma_wait3A_172 = arith.constant 0 : i32
        %dma_wait3A_173 = arith.constant 0 : i32
        %dma_wait3A_174 = tpu.memref_slice %arg12[%dma_wait3A_172, %dma_wait3A_173] : memref<10240x128xf32, #tpu.memory_space<vmem_shared>> -> memref<10240x128xf32, #tpu.memory_space<vmem_shared>>
        tpu.wait_indirect_dma semaphore(%run_scoped3A : memref<!tpu.dma_semaphore, #tpu.memory_space<semaphore_mem>>) src(%arg11 : memref<120x128xf32, #tpu.memory_space<vmem>>) dst(%dma_wait3A_174 : memref<10240x128xf32, #tpu.memory_space<vmem_shared>>)
        tpu.yield
      }) : () -> ()
      %add3A_153 = arith.constant 2 : i32
      %add3A_154 = arith.addi %mul3A_96, %add3A_153 : i32
      %add3A_155 = arith.constant 1 : i32
      %add3A_156 = arith.addi %add3A_154, %add3A_155 : i32
      %dma_start3A_157 = arith.constant 0 : i32
      %dma_start3A_158 = tpu.memref_slice %arg3[%add3A, %add3A_156, %dma_start3A_157] : memref<32x84x120xi32, #tpu.memory_space<hbm>> -> memref<1x1x120xi32, #tpu.memory_space<hbm>>
      %dma_start3A_159 = tpu.memref_squeeze %dma_start3A_158 : memref<1x1x120xi32, #tpu.memory_space<hbm>> -> memref<120xi32, #tpu.memory_space<hbm>>
      %dma_start3A_160 = arith.constant 0 : i32
      %dma_start3A_161 = tpu.memref_slice %arg3[%add3A, %add3A_156, %dma_start3A_160] : memref<32x84x120xi32, #tpu.memory_space<hbm>> -> memref<1x1x120xi32, #tpu.memory_space<hbm>>
      %dma_start3A_162 = tpu.memref_squeeze %dma_start3A_161 : memref<1x1x120xi32, #tpu.memory_space<hbm>> -> memref<120xi32, #tpu.memory_space<hbm>>
      tpu.enqueue_dma source(%dma_start3A_162 : memref<120xi32, #tpu.memory_space<hbm>>) target(%arg7 : memref<120xi32, #tpu.memory_space<vmem>>) target_semaphore(%arg14 : memref<!tpu.dma_semaphore, #tpu.memory_space<semaphore_mem>>)
      %dma_start3A_163 = arith.constant 0 : i32
      %dma_start3A_164 = tpu.memref_slice %arg4[%add3A, %add3A_156, %dma_start3A_163] : memref<32x84x120xi32, #tpu.memory_space<hbm>> -> memref<1x1x120xi32, #tpu.memory_space<hbm>>
      %dma_start3A_165 = tpu.memref_squeeze %dma_start3A_164 : memref<1x1x120xi32, #tpu.memory_space<hbm>> -> memref<120xi32, #tpu.memory_space<hbm>>
      %dma_start3A_166 = arith.constant 0 : i32
      %dma_start3A_167 = tpu.memref_slice %arg4[%add3A, %add3A_156, %dma_start3A_166] : memref<32x84x120xi32, #tpu.memory_space<hbm>> -> memref<1x1x120xi32, #tpu.memory_space<hbm>>
      %dma_start3A_168 = tpu.memref_squeeze %dma_start3A_167 : memref<1x1x120xi32, #tpu.memory_space<hbm>> -> memref<120xi32, #tpu.memory_space<hbm>>
      tpu.enqueue_dma source(%dma_start3A_168 : memref<120xi32, #tpu.memory_space<hbm>>) target(%arg9 : memref<120xi32, #tpu.memory_space<vmem>>) target_semaphore(%arg14 : memref<!tpu.dma_semaphore, #tpu.memory_space<semaphore_mem>>)
    }
    %scan3A_53 = arith.constant 41 : i32
    %dma_wait3A = arith.constant 82 : i32
    %dma_wait3A_54 = arith.constant 0 : i32
    %dma_wait3A_55 = tpu.memref_slice %arg3[%add3A, %dma_wait3A, %dma_wait3A_54] : memref<32x84x120xi32, #tpu.memory_space<hbm>> -> memref<1x1x120xi32, #tpu.memory_space<hbm>>
    %dma_wait3A_56 = tpu.memref_squeeze %dma_wait3A_55 : memref<1x1x120xi32, #tpu.memory_space<hbm>> -> memref<120xi32, #tpu.memory_space<hbm>>
    %dma_wait3A_57 = arith.constant 0 : i32
    %dma_wait3A_58 = tpu.memref_slice %arg3[%add3A, %dma_wait3A, %dma_wait3A_57] : memref<32x84x120xi32, #tpu.memory_space<hbm>> -> memref<1x1x120xi32, #tpu.memory_space<hbm>>
    %dma_wait3A_59 = tpu.memref_squeeze %dma_wait3A_58 : memref<1x1x120xi32, #tpu.memory_space<hbm>> -> memref<120xi32, #tpu.memory_space<hbm>>
    tpu.wait_dma2 semaphore(%arg13 : memref<!tpu.dma_semaphore, #tpu.memory_space<semaphore_mem>>) src(%dma_wait3A_59 : memref<120xi32, #tpu.memory_space<hbm>>) dst(%arg6 : memref<120xi32, #tpu.memory_space<vmem>>)
    %dma_wait3A_60 = arith.constant 82 : i32
    %dma_wait3A_61 = arith.constant 0 : i32
    %dma_wait3A_62 = tpu.memref_slice %arg4[%add3A, %dma_wait3A_60, %dma_wait3A_61] : memref<32x84x120xi32, #tpu.memory_space<hbm>> -> memref<1x1x120xi32, #tpu.memory_space<hbm>>
    %dma_wait3A_63 = tpu.memref_squeeze %dma_wait3A_62 : memref<1x1x120xi32, #tpu.memory_space<hbm>> -> memref<120xi32, #tpu.memory_space<hbm>>
    %dma_wait3A_64 = arith.constant 0 : i32
    %dma_wait3A_65 = tpu.memref_slice %arg4[%add3A, %dma_wait3A_60, %dma_wait3A_64] : memref<32x84x120xi32, #tpu.memory_space<hbm>> -> memref<1x1x120xi32, #tpu.memory_space<hbm>>
    %dma_wait3A_66 = tpu.memref_squeeze %dma_wait3A_65 : memref<1x1x120xi32, #tpu.memory_space<hbm>> -> memref<120xi32, #tpu.memory_space<hbm>>
    tpu.wait_dma2 semaphore(%arg13 : memref<!tpu.dma_semaphore, #tpu.memory_space<semaphore_mem>>) src(%dma_wait3A_66 : memref<120xi32, #tpu.memory_space<hbm>>) dst(%arg8 : memref<120xi32, #tpu.memory_space<vmem>>)
    %dma_start3A_67 = arith.constant 0 : i32
    %dma_start3A_68 = arith.constant 0 : i32
    %dma_start3A_69 = tpu.memref_slice %arg2[%dma_start3A_67, %dma_start3A_68] : memref<10000x128xf32, #tpu.memory_space<hbm>> -> memref<10000x128xf32, #tpu.memory_space<hbm>>
    tpu.enqueue_indirect_dma source(%dma_start3A_69 : memref<10000x128xf32, #tpu.memory_space<hbm>>) target(%arg10 : memref<120x128xf32, #tpu.memory_space<vmem>>) offsets(%arg6 : memref<120xi32, #tpu.memory_space<vmem>>) semaphore(%arg15 : memref<!tpu.dma_semaphore, #tpu.memory_space<semaphore_mem>>)
    %dma_wait3A_70 = arith.constant 83 : i32
    %dma_wait3A_71 = arith.constant 0 : i32
    %dma_wait3A_72 = tpu.memref_slice %arg3[%add3A, %dma_wait3A_70, %dma_wait3A_71] : memref<32x84x120xi32, #tpu.memory_space<hbm>> -> memref<1x1x120xi32, #tpu.memory_space<hbm>>
    %dma_wait3A_73 = tpu.memref_squeeze %dma_wait3A_72 : memref<1x1x120xi32, #tpu.memory_space<hbm>> -> memref<120xi32, #tpu.memory_space<hbm>>
    %dma_wait3A_74 = arith.constant 0 : i32
    %dma_wait3A_75 = tpu.memref_slice %arg3[%add3A, %dma_wait3A_70, %dma_wait3A_74] : memref<32x84x120xi32, #tpu.memory_space<hbm>> -> memref<1x1x120xi32, #tpu.memory_space<hbm>>
    %dma_wait3A_76 = tpu.memref_squeeze %dma_wait3A_75 : memref<1x1x120xi32, #tpu.memory_space<hbm>> -> memref<120xi32, #tpu.memory_space<hbm>>
    tpu.wait_dma2 semaphore(%arg14 : memref<!tpu.dma_semaphore, #tpu.memory_space<semaphore_mem>>) src(%dma_wait3A_76 : memref<120xi32, #tpu.memory_space<hbm>>) dst(%arg7 : memref<120xi32, #tpu.memory_space<vmem>>)
    %dma_wait3A_77 = arith.constant 83 : i32
    %dma_wait3A_78 = arith.constant 0 : i32
    %dma_wait3A_79 = tpu.memref_slice %arg4[%add3A, %dma_wait3A_77, %dma_wait3A_78] : memref<32x84x120xi32, #tpu.memory_space<hbm>> -> memref<1x1x120xi32, #tpu.memory_space<hbm>>
    %dma_wait3A_80 = tpu.memref_squeeze %dma_wait3A_79 : memref<1x1x120xi32, #tpu.memory_space<hbm>> -> memref<120xi32, #tpu.memory_space<hbm>>
    %dma_wait3A_81 = arith.constant 0 : i32
    %dma_wait3A_82 = tpu.memref_slice %arg4[%add3A, %dma_wait3A_77, %dma_wait3A_81] : memref<32x84x120xi32, #tpu.memory_space<hbm>> -> memref<1x1x120xi32, #tpu.memory_space<hbm>>
    %dma_wait3A_83 = tpu.memref_squeeze %dma_wait3A_82 : memref<1x1x120xi32, #tpu.memory_space<hbm>> -> memref<120xi32, #tpu.memory_space<hbm>>
    tpu.wait_dma2 semaphore(%arg14 : memref<!tpu.dma_semaphore, #tpu.memory_space<semaphore_mem>>) src(%dma_wait3A_83 : memref<120xi32, #tpu.memory_space<hbm>>) dst(%arg9 : memref<120xi32, #tpu.memory_space<vmem>>)
    %dma_start3A_84 = arith.constant 0 : i32
    %dma_start3A_85 = arith.constant 0 : i32
    %dma_start3A_86 = tpu.memref_slice %arg2[%dma_start3A_84, %dma_start3A_85] : memref<10000x128xf32, #tpu.memory_space<hbm>> -> memref<10000x128xf32, #tpu.memory_space<hbm>>
    tpu.enqueue_indirect_dma source(%dma_start3A_86 : memref<10000x128xf32, #tpu.memory_space<hbm>>) target(%arg11 : memref<120x128xf32, #tpu.memory_space<vmem>>) offsets(%arg7 : memref<120xi32, #tpu.memory_space<vmem>>) semaphore(%arg16 : memref<!tpu.dma_semaphore, #tpu.memory_space<semaphore_mem>>)
    %dma_wait3A_87 = arith.constant 0 : i32
    %dma_wait3A_88 = arith.constant 0 : i32
    %dma_wait3A_89 = tpu.memref_slice %arg2[%dma_wait3A_87, %dma_wait3A_88] : memref<10000x128xf32, #tpu.memory_space<hbm>> -> memref<10000x128xf32, #tpu.memory_space<hbm>>
    tpu.wait_indirect_dma semaphore(%arg15 : memref<!tpu.dma_semaphore, #tpu.memory_space<semaphore_mem>>) src(%dma_wait3A_89 : memref<10000x128xf32, #tpu.memory_space<hbm>>) dst(%arg10 : memref<120x128xf32, #tpu.memory_space<vmem>>)
    "tpu.region"() ({
      %run_scoped3A = tpu.sem_alloc : memref<!tpu.dma_semaphore, #tpu.memory_space<semaphore_mem>>
      %dma_start3A_94 = arith.constant 0 : i32
      %dma_start3A_95 = arith.constant 0 : i32
      %dma_start3A_96 = tpu.memref_slice %arg12[%dma_start3A_94, %dma_start3A_95] : memref<10240x128xf32, #tpu.memory_space<vmem_shared>> -> memref<10240x128xf32, #tpu.memory_space<vmem_shared>>
      tpu.enqueue_indirect_dma source(%arg10 : memref<120x128xf32, #tpu.memory_space<vmem>>) target(%dma_start3A_96 : memref<10240x128xf32, #tpu.memory_space<vmem_shared>>) offsets(%arg8 : memref<120xi32, #tpu.memory_space<vmem>>) semaphore(%run_scoped3A : memref<!tpu.dma_semaphore, #tpu.memory_space<semaphore_mem>>) {add = true}
      %dma_wait3A_97 = arith.constant 0 : i32
      %dma_wait3A_98 = arith.constant 0 : i32
      %dma_wait3A_99 = tpu.memref_slice %arg12[%dma_wait3A_97, %dma_wait3A_98] : memref<10240x128xf32, #tpu.memory_space<vmem_shared>> -> memref<10240x128xf32, #tpu.memory_space<vmem_shared>>
      tpu.wait_indirect_dma semaphore(%run_scoped3A : memref<!tpu.dma_semaphore, #tpu.memory_space<semaphore_mem>>) src(%arg10 : memref<120x128xf32, #tpu.memory_space<vmem>>) dst(%dma_wait3A_99 : memref<10240x128xf32, #tpu.memory_space<vmem_shared>>)
      tpu.yield
    }) : () -> ()
    %dma_wait3A_90 = arith.constant 0 : i32
    %dma_wait3A_91 = arith.constant 0 : i32
    %dma_wait3A_92 = tpu.memref_slice %arg2[%dma_wait3A_90, %dma_wait3A_91] : memref<10000x128xf32, #tpu.memory_space<hbm>> -> memref<10000x128xf32, #tpu.memory_space<hbm>>
    tpu.wait_indirect_dma semaphore(%arg16 : memref<!tpu.dma_semaphore, #tpu.memory_space<semaphore_mem>>) src(%dma_wait3A_92 : memref<10000x128xf32, #tpu.memory_space<hbm>>) dst(%arg11 : memref<120x128xf32, #tpu.memory_space<vmem>>)
    "tpu.region"() ({
      %run_scoped3A = tpu.sem_alloc : memref<!tpu.dma_semaphore, #tpu.memory_space<semaphore_mem>>
      %dma_start3A_94 = arith.constant 0 : i32
      %dma_start3A_95 = arith.constant 0 : i32
      %dma_start3A_96 = tpu.memref_slice %arg12[%dma_start3A_94, %dma_start3A_95] : memref<10240x128xf32, #tpu.memory_space<vmem_shared>> -> memref<10240x128xf32, #tpu.memory_space<vmem_shared>>
      tpu.enqueue_indirect_dma source(%arg11 : memref<120x128xf32, #tpu.memory_space<vmem>>) target(%dma_start3A_96 : memref<10240x128xf32, #tpu.memory_space<vmem_shared>>) offsets(%arg9 : memref<120xi32, #tpu.memory_space<vmem>>) semaphore(%run_scoped3A : memref<!tpu.dma_semaphore, #tpu.memory_space<semaphore_mem>>) {add = true}
      %dma_wait3A_97 = arith.constant 0 : i32
      %dma_wait3A_98 = arith.constant 0 : i32
      %dma_wait3A_99 = tpu.memref_slice %arg12[%dma_wait3A_97, %dma_wait3A_98] : memref<10240x128xf32, #tpu.memory_space<vmem_shared>> -> memref<10240x128xf32, #tpu.memory_space<vmem_shared>>
      tpu.wait_indirect_dma semaphore(%run_scoped3A : memref<!tpu.dma_semaphore, #tpu.memory_space<semaphore_mem>>) src(%arg11 : memref<120x128xf32, #tpu.memory_space<vmem>>) dst(%dma_wait3A_99 : memref<10240x128xf32, #tpu.memory_space<vmem_shared>>)
      tpu.yield
    }) : () -> ()
    %barrier3A_93 = arith.constant 0 : index
    tpu.barrier barrier_id(%barrier3A_93)
    "tpu.region"() ({
      %run_scoped3A = tpu.sem_alloc : memref<!tpu.dma_semaphore, #tpu.memory_space<semaphore_mem>>
      %dma_start3A_94 = arith.constant 0 : i32
      %dma_start3A_95 = tpu.memref_slice %arg5[%arg0, %mul3A_2, %dma_start3A_94] : memref<2x10240x128xf32, #tpu.memory_space<hbm>> -> memref<1x640x128xf32, #tpu.memory_space<hbm>>
      %dma_start3A_96 = tpu.memref_squeeze %dma_start3A_95 : memref<1x640x128xf32, #tpu.memory_space<hbm>> -> memref<640x128xf32, #tpu.memory_space<hbm>>
      %dma_start3A_97 = arith.constant 0 : i32
      %dma_start3A_98 = tpu.memref_slice %arg12[%mul3A_2, %dma_start3A_97] : memref<10240x128xf32, #tpu.memory_space<vmem_shared>> -> memref<640x128xf32, #tpu.memory_space<vmem_shared>>
      tpu.enqueue_dma source(%dma_start3A_98 : memref<640x128xf32, #tpu.memory_space<vmem_shared>>) target(%dma_start3A_96 : memref<640x128xf32, #tpu.memory_space<hbm>>) target_semaphore(%run_scoped3A : memref<!tpu.dma_semaphore, #tpu.memory_space<semaphore_mem>>)
      %dma_wait3A_99 = arith.constant 0 : i32
      %dma_wait3A_100 = tpu.memref_slice %arg5[%arg0, %mul3A_2, %dma_wait3A_99] : memref<2x10240x128xf32, #tpu.memory_space<hbm>> -> memref<1x640x128xf32, #tpu.memory_space<hbm>>
      %dma_wait3A_101 = tpu.memref_squeeze %dma_wait3A_100 : memref<1x640x128xf32, #tpu.memory_space<hbm>> -> memref<640x128xf32, #tpu.memory_space<hbm>>
      %dma_wait3A_102 = arith.constant 0 : i32
      %dma_wait3A_103 = tpu.memref_slice %arg12[%mul3A_2, %dma_wait3A_102] : memref<10240x128xf32, #tpu.memory_space<vmem_shared>> -> memref<640x128xf32, #tpu.memory_space<vmem_shared>>
      tpu.wait_dma2 semaphore(%run_scoped3A : memref<!tpu.dma_semaphore, #tpu.memory_space<semaphore_mem>>) src(%dma_wait3A_103 : memref<640x128xf32, #tpu.memory_space<vmem_shared>>) dst(%dma_wait3A_101 : memref<640x128xf32, #tpu.memory_space<hbm>>)
      tpu.yield
    }) : () -> ()
    return
  }
}

module attributes {stable_mosaic.version = 14 : i64} {
  func.func @_mlp_bn_kernel(%arg0: memref<2x10240x128xf32, #tpu.memory_space<vmem>>, %arg1: memref<128x128xf32, #tpu.memory_space<vmem>>, %arg2: memref<1x128xf32, #tpu.memory_space<vmem>>, %arg3: memref<128x128xf32, #tpu.memory_space<vmem>>, %arg4: memref<1x128xf32, #tpu.memory_space<vmem>>, %arg5: memref<1x128xf32, #tpu.memory_space<vmem>>, %arg6: memref<1x128xf32, #tpu.memory_space<vmem>>, %arg7: memref<10000x128xf32, #tpu.memory_space<vmem>>) attributes {dimension_semantics = [], scalar_prefetch = 0 : i64, scratch_operands = 0 : i64, tpu.core_type = #tpu.core_type<tc>} {
    %get3A = arith.constant 0 : index
    %get3A_0 = arith.constant 0 : index
    %get3A_1 = arith.constant 0 : index
    %get3A_2 = vector.load %arg0[%get3A, %get3A_0, %get3A_1] : memref<2x10240x128xf32, #tpu.memory_space<vmem>>, vector<1x10000x128xf32>
    %get3A_3 = vector.shape_cast %get3A_2 : vector<1x10000x128xf32> to vector<10000x128xf32>
    %get3A_4 = arith.constant 1 : index
    %get3A_5 = arith.constant 0 : index
    %get3A_6 = arith.constant 0 : index
    %get3A_7 = vector.load %arg0[%get3A_4, %get3A_5, %get3A_6] : memref<2x10240x128xf32, #tpu.memory_space<vmem>>, vector<1x10000x128xf32>
    %get3A_8 = vector.shape_cast %get3A_7 : vector<1x10000x128xf32> to vector<10000x128xf32>
    %add3A = arith.addf %get3A_3, %get3A_8 : vector<10000x128xf32>
    %get3A_9 = arith.constant 0 : index
    %get3A_10 = arith.constant 0 : index
    %get3A_11 = vector.load %arg1[%get3A_9, %get3A_10] : memref<128x128xf32, #tpu.memory_space<vmem>>, vector<128x128xf32>
    %dot_general3A = arith.constant dense<0.000000e+00> : vector<10000x128xf32>
    %dot_general3A_12 = tpu.matmul %add3A, %get3A_11, %dot_general3A {dimension_numbers = #tpu.dot_dimension_numbers<[1], [0], [0], [1], [0, 0, 1, 1], [], []>, transpose_lhs_hint = false} : vector<10000x128xf32>, vector<128x128xf32>, vector<10000x128xf32> -> vector<10000x128xf32>
    %get3A_13 = arith.constant 0 : index
    %get3A_14 = arith.constant 0 : index
    %get3A_15 = vector.load %arg2[%get3A_13, %get3A_14] : memref<1x128xf32, #tpu.memory_space<vmem>>, vector<1x128xf32>
    %add3A_16 = vector.broadcast %get3A_15 : vector<1x128xf32> to vector<10000x128xf32>
    %add3A_17 = arith.addf %dot_general3A_12, %add3A_16 : vector<10000x128xf32>
    %max3A = arith.constant 0.000000e+00 : f32
    %max3A_18 = vector.broadcast %max3A : f32 to vector<10000x128xf32>
    %max3A_19 = arith.maximumf %add3A_17, %max3A_18 : vector<10000x128xf32>
    %get3A_20 = arith.constant 0 : index
    %get3A_21 = arith.constant 0 : index
    %get3A_22 = vector.load %arg3[%get3A_20, %get3A_21] : memref<128x128xf32, #tpu.memory_space<vmem>>, vector<128x128xf32>
    %dot_general3A_23 = arith.constant dense<0.000000e+00> : vector<10000x128xf32>
    %dot_general3A_24 = tpu.matmul %max3A_19, %get3A_22, %dot_general3A_23 {dimension_numbers = #tpu.dot_dimension_numbers<[1], [0], [0], [1], [0, 0, 1, 1], [], []>, transpose_lhs_hint = false} : vector<10000x128xf32>, vector<128x128xf32>, vector<10000x128xf32> -> vector<10000x128xf32>
    %get3A_25 = arith.constant 0 : index
    %get3A_26 = arith.constant 0 : index
    %get3A_27 = vector.load %arg4[%get3A_25, %get3A_26] : memref<1x128xf32, #tpu.memory_space<vmem>>, vector<1x128xf32>
    %add3A_28 = vector.broadcast %get3A_27 : vector<1x128xf32> to vector<10000x128xf32>
    %add3A_29 = arith.addf %dot_general3A_24, %add3A_28 : vector<10000x128xf32>
    %reduce_sum3A = arith.constant dense<0.000000e+00> : vector<128xf32>
    %reduce_sum3A_30 = vector.multi_reduction <add>, %add3A_29, %reduce_sum3A [0] : vector<10000x128xf32> to vector<128xf32>
    %broadcast_in_dim3A = vector.shape_cast %reduce_sum3A_30 : vector<128xf32> to vector<1x128xf32>
    %div3A = arith.constant 1.000000e+04 : f32
    %div3A_31 = vector.broadcast %div3A : f32 to vector<1x128xf32>
    %div3A_32 = arith.divf %broadcast_in_dim3A, %div3A_31 : vector<1x128xf32>
    %sub3A = vector.broadcast %div3A_32 : vector<1x128xf32> to vector<10000x128xf32>
    %sub3A_33 = arith.subf %add3A_29, %sub3A : vector<10000x128xf32>
    %sub3A_34 = vector.broadcast %div3A_32 : vector<1x128xf32> to vector<10000x128xf32>
    %sub3A_35 = arith.subf %add3A_29, %sub3A_34 : vector<10000x128xf32>
    %mul3A = arith.mulf %sub3A_33, %sub3A_35 : vector<10000x128xf32>
    %reduce_sum3A_36 = arith.constant dense<0.000000e+00> : vector<128xf32>
    %reduce_sum3A_37 = vector.multi_reduction <add>, %mul3A, %reduce_sum3A_36 [0] : vector<10000x128xf32> to vector<128xf32>
    %broadcast_in_dim3A_38 = vector.shape_cast %reduce_sum3A_37 : vector<128xf32> to vector<1x128xf32>
    %div3A_39 = arith.constant 1.000000e+04 : f32
    %div3A_40 = vector.broadcast %div3A_39 : f32 to vector<1x128xf32>
    %div3A_41 = arith.divf %broadcast_in_dim3A_38, %div3A_40 : vector<1x128xf32>
    %sub3A_42 = vector.broadcast %div3A_32 : vector<1x128xf32> to vector<10000x128xf32>
    %sub3A_43 = arith.subf %add3A_29, %sub3A_42 : vector<10000x128xf32>
    %add3A_44 = arith.constant 9.99999974E-6 : f32
    %add3A_45 = vector.broadcast %add3A_44 : f32 to vector<1x128xf32>
    %add3A_46 = arith.addf %div3A_41, %add3A_45 : vector<1x128xf32>
    %rsqrt3A = math.rsqrt %add3A_46 : vector<1x128xf32>
    %mul3A_47 = vector.broadcast %rsqrt3A : vector<1x128xf32> to vector<10000x128xf32>
    %mul3A_48 = arith.mulf %sub3A_43, %mul3A_47 : vector<10000x128xf32>
    %get3A_49 = arith.constant 0 : index
    %get3A_50 = arith.constant 0 : index
    %get3A_51 = vector.load %arg5[%get3A_49, %get3A_50] : memref<1x128xf32, #tpu.memory_space<vmem>>, vector<1x128xf32>
    %mul3A_52 = vector.broadcast %get3A_51 : vector<1x128xf32> to vector<10000x128xf32>
    %mul3A_53 = arith.mulf %mul3A_48, %mul3A_52 : vector<10000x128xf32>
    %get3A_54 = arith.constant 0 : index
    %get3A_55 = arith.constant 0 : index
    %get3A_56 = vector.load %arg6[%get3A_54, %get3A_55] : memref<1x128xf32, #tpu.memory_space<vmem>>, vector<1x128xf32>
    %add3A_57 = vector.broadcast %get3A_56 : vector<1x128xf32> to vector<10000x128xf32>
    %add3A_58 = arith.addf %mul3A_53, %add3A_57 : vector<10000x128xf32>
    %max3A_59 = arith.constant 0.000000e+00 : f32
    %max3A_60 = vector.broadcast %max3A_59 : f32 to vector<10000x128xf32>
    %max3A_61 = arith.maximumf %add3A_58, %max3A_60 : vector<10000x128xf32>
    %swap3A = arith.constant 0 : index
    %swap3A_62 = arith.constant 0 : index
    %swap3A_63 = vector.load %arg7[%swap3A, %swap3A_62] : memref<10000x128xf32, #tpu.memory_space<vmem>>, vector<10000x128xf32>
    tpu.vector_store %arg7[%swap3A, %swap3A_62], %max3A_61 {strides = array<i32>} : memref<10000x128xf32, #tpu.memory_space<vmem>>, vector<10000x128xf32>,
    return
  }
}

module attributes {stable_mosaic.version = 14 : i64} {
  func.func @_mlp_bn_pool_kernel(%arg0: memref<2x10240x128xf32, #tpu.memory_space<vmem>>, %arg1: memref<1x10000xi32, #tpu.memory_space<vmem>>, %arg2: memref<128x128xf32, #tpu.memory_space<vmem>>, %arg3: memref<1x128xf32, #tpu.memory_space<vmem>>, %arg4: memref<128x128xf32, #tpu.memory_space<vmem>>, %arg5: memref<1x128xf32, #tpu.memory_space<vmem>>, %arg6: memref<1x128xf32, #tpu.memory_space<vmem>>, %arg7: memref<1x128xf32, #tpu.memory_space<vmem>>, %arg8: memref<10000x128xf32, #tpu.memory_space<vmem>>, %arg9: memref<64x128xf32, #tpu.memory_space<vmem>>) attributes {dimension_semantics = [], scalar_prefetch = 0 : i64, scratch_operands = 0 : i64, tpu.core_type = #tpu.core_type<tc>} {
    %get3A = arith.constant 0 : index
    %get3A_0 = arith.constant 0 : index
    %get3A_1 = arith.constant 0 : index
    %get3A_2 = vector.load %arg0[%get3A, %get3A_0, %get3A_1] : memref<2x10240x128xf32, #tpu.memory_space<vmem>>, vector<1x10000x128xf32>
    %get3A_3 = vector.shape_cast %get3A_2 : vector<1x10000x128xf32> to vector<10000x128xf32>
    %get3A_4 = arith.constant 1 : index
    %get3A_5 = arith.constant 0 : index
    %get3A_6 = arith.constant 0 : index
    %get3A_7 = vector.load %arg0[%get3A_4, %get3A_5, %get3A_6] : memref<2x10240x128xf32, #tpu.memory_space<vmem>>, vector<1x10000x128xf32>
    %get3A_8 = vector.shape_cast %get3A_7 : vector<1x10000x128xf32> to vector<10000x128xf32>
    %add3A = arith.addf %get3A_3, %get3A_8 : vector<10000x128xf32>
    %get3A_9 = arith.constant 0 : index
    %get3A_10 = arith.constant 0 : index
    %get3A_11 = vector.load %arg2[%get3A_9, %get3A_10] : memref<128x128xf32, #tpu.memory_space<vmem>>, vector<128x128xf32>
    %dot_general3A = arith.constant dense<0.000000e+00> : vector<10000x128xf32>
    %dot_general3A_12 = tpu.matmul %add3A, %get3A_11, %dot_general3A {dimension_numbers = #tpu.dot_dimension_numbers<[1], [0], [0], [1], [0, 0, 1, 1], [], []>, transpose_lhs_hint = false} : vector<10000x128xf32>, vector<128x128xf32>, vector<10000x128xf32> -> vector<10000x128xf32>
    %get3A_13 = arith.constant 0 : index
    %get3A_14 = arith.constant 0 : index
    %get3A_15 = vector.load %arg3[%get3A_13, %get3A_14] : memref<1x128xf32, #tpu.memory_space<vmem>>, vector<1x128xf32>
    %add3A_16 = vector.broadcast %get3A_15 : vector<1x128xf32> to vector<10000x128xf32>
    %add3A_17 = arith.addf %dot_general3A_12, %add3A_16 : vector<10000x128xf32>
    %max3A = arith.constant 0.000000e+00 : f32
    %max3A_18 = vector.broadcast %max3A : f32 to vector<10000x128xf32>
    %max3A_19 = arith.maximumf %add3A_17, %max3A_18 : vector<10000x128xf32>
    %get3A_20 = arith.constant 0 : index
    %get3A_21 = arith.constant 0 : index
    %get3A_22 = vector.load %arg4[%get3A_20, %get3A_21] : memref<128x128xf32, #tpu.memory_space<vmem>>, vector<128x128xf32>
    %dot_general3A_23 = arith.constant dense<0.000000e+00> : vector<10000x128xf32>
    %dot_general3A_24 = tpu.matmul %max3A_19, %get3A_22, %dot_general3A_23 {dimension_numbers = #tpu.dot_dimension_numbers<[1], [0], [0], [1], [0, 0, 1, 1], [], []>, transpose_lhs_hint = false} : vector<10000x128xf32>, vector<128x128xf32>, vector<10000x128xf32> -> vector<10000x128xf32>
    %get3A_25 = arith.constant 0 : index
    %get3A_26 = arith.constant 0 : index
    %get3A_27 = vector.load %arg5[%get3A_25, %get3A_26] : memref<1x128xf32, #tpu.memory_space<vmem>>, vector<1x128xf32>
    %add3A_28 = vector.broadcast %get3A_27 : vector<1x128xf32> to vector<10000x128xf32>
    %add3A_29 = arith.addf %dot_general3A_24, %add3A_28 : vector<10000x128xf32>
    %reduce_sum3A = arith.constant dense<0.000000e+00> : vector<128xf32>
    %reduce_sum3A_30 = vector.multi_reduction <add>, %add3A_29, %reduce_sum3A [0] : vector<10000x128xf32> to vector<128xf32>
    %broadcast_in_dim3A = vector.shape_cast %reduce_sum3A_30 : vector<128xf32> to vector<1x128xf32>
    %div3A = arith.constant 1.000000e+04 : f32
    %div3A_31 = vector.broadcast %div3A : f32 to vector<1x128xf32>
    %div3A_32 = arith.divf %broadcast_in_dim3A, %div3A_31 : vector<1x128xf32>
    %sub3A = vector.broadcast %div3A_32 : vector<1x128xf32> to vector<10000x128xf32>
    %sub3A_33 = arith.subf %add3A_29, %sub3A : vector<10000x128xf32>
    %sub3A_34 = vector.broadcast %div3A_32 : vector<1x128xf32> to vector<10000x128xf32>
    %sub3A_35 = arith.subf %add3A_29, %sub3A_34 : vector<10000x128xf32>
    %mul3A = arith.mulf %sub3A_33, %sub3A_35 : vector<10000x128xf32>
    %reduce_sum3A_36 = arith.constant dense<0.000000e+00> : vector<128xf32>
    %reduce_sum3A_37 = vector.multi_reduction <add>, %mul3A, %reduce_sum3A_36 [0] : vector<10000x128xf32> to vector<128xf32>
    %broadcast_in_dim3A_38 = vector.shape_cast %reduce_sum3A_37 : vector<128xf32> to vector<1x128xf32>
    %div3A_39 = arith.constant 1.000000e+04 : f32
    %div3A_40 = vector.broadcast %div3A_39 : f32 to vector<1x128xf32>
    %div3A_41 = arith.divf %broadcast_in_dim3A_38, %div3A_40 : vector<1x128xf32>
    %sub3A_42 = vector.broadcast %div3A_32 : vector<1x128xf32> to vector<10000x128xf32>
    %sub3A_43 = arith.subf %add3A_29, %sub3A_42 : vector<10000x128xf32>
    %add3A_44 = arith.constant 9.99999974E-6 : f32
    %add3A_45 = vector.broadcast %add3A_44 : f32 to vector<1x128xf32>
    %add3A_46 = arith.addf %div3A_41, %add3A_45 : vector<1x128xf32>
    %rsqrt3A = math.rsqrt %add3A_46 : vector<1x128xf32>
    %mul3A_47 = vector.broadcast %rsqrt3A : vector<1x128xf32> to vector<10000x128xf32>
    %mul3A_48 = arith.mulf %sub3A_43, %mul3A_47 : vector<10000x128xf32>
    %get3A_49 = arith.constant 0 : index
    %get3A_50 = arith.constant 0 : index
    %get3A_51 = vector.load %arg6[%get3A_49, %get3A_50] : memref<1x128xf32, #tpu.memory_space<vmem>>, vector<1x128xf32>
    %mul3A_52 = vector.broadcast %get3A_51 : vector<1x128xf32> to vector<10000x128xf32>
    %mul3A_53 = arith.mulf %mul3A_48, %mul3A_52 : vector<10000x128xf32>
    %get3A_54 = arith.constant 0 : index
    %get3A_55 = arith.constant 0 : index
    %get3A_56 = vector.load %arg7[%get3A_54, %get3A_55] : memref<1x128xf32, #tpu.memory_space<vmem>>, vector<1x128xf32>
    %add3A_57 = vector.broadcast %get3A_56 : vector<1x128xf32> to vector<10000x128xf32>
    %add3A_58 = arith.addf %mul3A_53, %add3A_57 : vector<10000x128xf32>
    %max3A_59 = arith.constant 0.000000e+00 : f32
    %max3A_60 = vector.broadcast %max3A_59 : f32 to vector<10000x128xf32>
    %max3A_61 = arith.maximumf %add3A_58, %max3A_60 : vector<10000x128xf32>
    %swap3A = arith.constant 0 : index
    %swap3A_62 = arith.constant 0 : index
    %swap3A_63 = vector.load %arg8[%swap3A, %swap3A_62] : memref<10000x128xf32, #tpu.memory_space<vmem>>, vector<10000x128xf32>
    tpu.vector_store %arg8[%swap3A, %swap3A_62], %max3A_61 {strides = array<i32>} : memref<10000x128xf32, #tpu.memory_space<vmem>>, vector<10000x128xf32>,
    %iota3A = tpu.iota {dimensions = array<i32: 0>} : vector<64x10000xi32>
    %get3A_64 = arith.constant 0 : index
    %get3A_65 = arith.constant 0 : index
    %get3A_66 = vector.load %arg1[%get3A_64, %get3A_65] : memref<1x10000xi32, #tpu.memory_space<vmem>>, vector<1x10000xi32>
    %eq3A = vector.broadcast %get3A_66 : vector<1x10000xi32> to vector<64x10000xi32>
    %eq3A_67 = arith.cmpi eq, %iota3A, %eq3A : vector<64x10000xi32>
    %convert_element_type3A = arith.extui %eq3A_67 : vector<64x10000xi1> to vector<64x10000xi32>
    %convert_element_type3A_68 = arith.sitofp %convert_element_type3A : vector<64x10000xi32> to vector<64x10000xf32>
    %dot_general3A_69 = arith.constant dense<0.000000e+00> : vector<64x128xf32>
    %dot_general3A_70 = tpu.matmul %convert_element_type3A_68, %max3A_61, %dot_general3A_69 {dimension_numbers = #tpu.dot_dimension_numbers<[1], [0], [0], [1], [0, 0, 1, 1], [], []>, transpose_lhs_hint = false} : vector<64x10000xf32>, vector<10000x128xf32>, vector<64x128xf32> -> vector<64x128xf32>
    %swap3A_71 = arith.constant 0 : index
    %swap3A_72 = arith.constant 0 : index
    %swap3A_73 = vector.load %arg9[%swap3A_71, %swap3A_72] : memref<64x128xf32, #tpu.memory_space<vmem>>, vector<64x128xf32>
    tpu.vector_store %arg9[%swap3A_71, %swap3A_72], %dot_general3A_70 {strides = array<i32>} : memref<64x128xf32, #tpu.memory_space<vmem>>, vector<64x128xf32>,
    return
  }
}

</mosaic_0001>

<sc_bundles>
// kernel: kernel.6.cloned.1.call-start
scs
__scs_entry_jumppad:
0x0: {  	(pc) =	sbr.rel $0x88, $3  }
0x1: {  	(tag) =	ssettag $0x0;
	lr =	simm.s32 $0x1  }
0x2: {  	[smem:$0x3F92] =	sst lr;
	_ =	strace $0xD0000000  }
0x3: {  	_ = 	snop  }
0x4: {  	_ = 	snop  }
0x5: {  	_ = 	snop  }
0x6: {  	_ = 	snop  }
0x7: {  	_ = 	snop  }
__scs_overlays_trampoline_lowered:
0x8: {  	[smem:$0x3FA1] =	sst s0  }
0x9: {  	[smem:$0x3FA2] =	sst s1  }
0xa: {  	[smem:$0x3FA3] =	sst s2  }
0xb: {  	[smem:$0x3FA4] =	sst s3  }
0xc: {  	[smem:$0x3FA5] =	sst s4  }
0xd: {  	[smem:$0x3FA6] =	sst s5  }
0xe: {  	[smem:$0x3FA7] =	sst s6  }
0xf: {  	[smem:$0x3FA8] =	sst s7  }
0x10: {  	[smem:$0x3FA9] =	sst s8  }
0x11: {  	[smem:$0x3FAA] =	sst s9;
	s0 =	simm.s32 @!p0 $0x0  }
0x12: {  	s1 =	sld [smem:$0x3F90];
	s0 =	simm.s32 @p0 $0x1  }
0x13: {  	[smem:$0x3FAB] =	sst s0;
	s0 =	simm.s32 @!p1 $0x0  }
0x14: {  	s2 =	sld [smem:$0x3F8F];
	s0 =	simm.s32 @p1 $0x1  }
0x15: {  	[smem:$0x3FAC] =	sst s0;
	s0 =	simm.s32 @!p2 $0x0  }
0x16: {  	s3 =	sld [smem:$0x3FDB];
	s0 =	simm.s32 @p2 $0x1  }
0x17: {  	s4 =	simm.s32 $0x1BF5;
	[smem:$0x3FAE] =	sst s0  }
0x18: {  	s0 =	sld [smem:$0x3F91];
	_ =	swait.ge [sflag:s4], $0x0  }
0x19: {  	s7 =	sld [smem:$0x3F92]  }
0x1a: {  	s8 =	sadd.s32 $0xFFFFE003, lr  }
0x1b: {  	s9 =	sadd.s32 $0xFFFFFEF7, lr;
	s5 =	simm.s32 $0xFFFFFFFF;
	p2 =	slt.u32 s8, $0xFFFFF086  }
0x1c: {  	p1 =	slt.u32 s9, $0xF7A;
	s5 =	simm.s32 @!p2 $0x0  }
0x1d: {  	s5 =	simm.s32 @p1 $0x1;
	p0 =	seq.s32 s7, s2  }
0x1e: {  	s7 =	smul.u32 @!p0 $0xF7A, s2;
	p2 =	seq.s32 @!p0 s5, $0x0  }
0x1f: {  	s9 =	smul.u32 $0xF7A, s1;
	s8 =	simm.s32 @!p0 $0x1BF5;
	p2 =	por !p2, p0  }
0x20: {  	[sflag:s8] =	ssyncset.s32 @!p0 $0xFFFFF086;
	s6 =	sadd.s32 @!p0 s3, s7;
	s7 =	simm.s32 @!p0 $0x108  }
0x21: {  	s3 =	sadd.s32 s3, s9;
	s6 =	sadd.s32 @!p0 $0x88, s6;
	s7 =	simm.s32 @p2 $0x1082  }
0x22: {  	[simem:s7], [sflag:s8] =	dma.local @!p0 [hbm:s6], $0xF7A  }
0x23: {  	s9 =	sor.u32 $0xD0000000, s2;
	s6 =	simm.s32 $0x108;
	_ =	swait.ge @!p0 [sflag:s8], $0x0  }
0x24: {  	s3 =	sadd.s32 $0x88, s3;
	s6 =	simm.s32 @!p1 $0x1082;
	[sflag:s4] =	ssyncset.s32 $0xFFFFF086  }
0x25: {  	[simem:s6], [sflag:s4] =	dma.local [hbm:s3], $0xF7A  }
0x26: {  	[smem:$0x3F92] =	sst s1;
	(tag) =	ssettag s2;
	_ =	strace s9  }
0x27: {  	s1 =	sld [smem:$0x3FA2]  }
0x28: {  	s2 =	sld [smem:$0x3FA3]  }
0x29: {  	s4 =	sld [smem:$0x3FA5]  }
0x2a: {  	p0 =	seq.s32 s5, $0x0;
	s5 =	sld [smem:$0x3FA6]  }
0x2b: {  	s6 =	sld [smem:$0x3FA7]  }
0x2c: {  	s7 =	sld [smem:$0x3FA8]  }
0x2d: {  	s3 =	simm.s32 $0x108;
	s8 =	sld [smem:$0x3FA9]  }
0x2e: {  	s3 =	simm.s32 @!p0 $0x1082;
	s9 =	sld [smem:$0x3FAA]  }
0x2f: {  	lr =	sadd.s32 s0, s3;
	s0 =	sld [smem:$0x3FA1]  }
0x30: {  	s3 =	sld [smem:$0x3FA4]  }
0x31: {  	[smem:$0x3FAD] =	sst s10  }
0x32: {  	s10 =	sld [smem:$0x3FAB];
	_ =	sdelay $0x3  }
0x33: {  	p0 =	seq.s32 s10, $0x1;
	s10 =	sld [smem:$0x3FAD];
	_ =	sdelay $0x3  }
0x34: {  	[smem:$0x3FAD] =	sst s10  }
0x35: {  	s10 =	sld [smem:$0x3FAC];
	_ =	sdelay $0x3  }
0x36: {  	p1 =	seq.s32 s10, $0x1;
	s10 =	sld [smem:$0x3FAD];
	_ =	sdelay $0x3  }
0x37: {  	[smem:$0x3FAD] =	sst s10  }
0x38: {  	s10 =	sld [smem:$0x3FAE]  }
0x39: {  	_ = 	snop;
	(pc) =	sbr.ind lr, $3  }
0x3a: {  	_ = 	snop  }
0x3b: {  	_ = 	snop  }
0x3c: {  	p2 =	seq.s32 s10, $0x1;
	s10 =	sld [smem:$0x3FAD]  }
0x3d: {  	_ =	shalt  }
0x3e: {  	_ =	shalt  }
0x3f: {  	_ =	shalt  }
0x40: {  	_ =	shalt  }
0x41: {  	_ =	shalt  }
0x42: {  	_ =	shalt  }
0x43: {  	_ =	shalt  }
0x44: {  	_ =	shalt  }
0x45: {  	_ =	shalt  }
0x46: {  	_ =	shalt  }
0x47: {  	_ =	shalt  }
0x48: {  	_ =	shalt  }
0x49: {  	_ =	shalt  }
0x4a: {  	_ =	shalt  }
0x4b: {  	_ =	shalt  }
0x4c: {  	_ =	shalt  }
0x4d: {  	_ =	shalt  }
0x4e: {  	_ =	shalt  }
0x4f: {  	_ =	shalt  }
0x50: {  	_ =	shalt  }
0x51: {  	_ =	shalt  }
0x52: {  	_ =	shalt  }
0x53: {  	_ =	shalt  }
0x54: {  	_ =	shalt  }
0x55: {  	_ =	shalt  }
0x56: {  	_ =	shalt  }
0x57: {  	_ =	shalt  }
0x58: {  	_ =	shalt  }
0x59: {  	_ =	shalt  }
0x5a: {  	_ =	shalt  }
0x5b: {  	_ =	shalt  }
0x5c: {  	_ =	shalt  }
0x5d: {  	_ =	shalt  }
0x5e: {  	_ =	shalt  }
0x5f: {  	_ =	shalt  }
0x60: {  	_ =	shalt  }
0x61: {  	_ =	shalt  }
0x62: {  	_ =	shalt  }
0x63: {  	_ =	shalt  }
0x64: {  	_ =	shalt  }
0x65: {  	_ =	shalt  }
0x66: {  	_ =	shalt  }
0x67: {  	_ =	shalt  }
0x68: {  	_ =	shalt  }
0x69: {  	_ =	shalt  }
0x6a: {  	_ =	shalt  }
0x6b: {  	_ =	shalt  }
0x6c: {  	_ =	shalt  }
0x6d: {  	_ =	shalt  }
0x6e: {  	_ =	shalt  }
0x6f: {  	_ =	shalt  }
0x70: {  	_ =	shalt  }
0x71: {  	_ =	shalt  }
0x72: {  	_ =	shalt  }
0x73: {  	_ =	shalt  }
0x74: {  	_ =	shalt  }
0x75: {  	_ =	shalt  }
0x76: {  	_ =	shalt  }
0x77: {  	_ =	shalt  }
0x78: {  	_ =	shalt  }
0x79: {  	_ =	shalt  }
0x7a: {  	_ =	shalt  }
0x7b: {  	_ =	shalt  }
0x7c: {  	_ =	shalt  }
0x7d: {  	_ =	shalt  }
0x7e: {  	_ =	shalt  }
0x7f: {  	_ =	shalt  }
0x80: {  	_ =	shalt  }
0x81: {  	_ =	shalt  }
0x82: {  	_ =	shalt  }
0x83: {  	_ =	shalt  }
0x84: {  	_ =	shalt  }
0x85: {  	_ =	shalt  }
0x86: {  	_ =	shalt  }
0x87: {  	_ =	shalt  }
.Lfunc_end0:
.L_simem_size_0:
called_computation_lowered:
.L_overlay_start_0:
0x88: {  	s2 =	sld [smem:$0x3FD9]  }
0x89: {  	s3 =	sld [smem:$0x3FFE];
	_ =	sdelay $0x1  }
0x8a: {  	s1 =	srdreg.scid  }
0x8b: {  	s0 =	sand.u32 $0x1, s1  }
0x8c: {  	s17 =	sshll.u32 s0, $0xA;
	s2 =	sadd.s32 s3, s2  }
0x8d: {  	s2 =	sadd.s32 s2, s17  }
0x8e: {  	[smem:$0x3FB9] =	sst s2  }
0x8f: {  	_ = 	snop  }
0x90: {  	s2 =	sld [smem:$0x3FC9];
	(tm) =	ssettm $0x1  }
0x91: {  	s18 =	sld [smem:$0x3FFB];
	_ =	sdelay $0x3  }
0x92: {  	_ =	strace s18  }
0x93: {  	s3 =	sld [smem:$0x3FFC];
	_ =	sdelay $0x3  }
0x94: {  	_ =	strace s3  }
0x95: {  	s3 =	sld [smem:$0x3FFD];
	_ =	sdelay $0x3  }
0x96: {  	_ =	strace s3  }
0x97: {  	_ =	strace $0x8FFFFFFF  }
0x98: {  	s19 =	sld [smem:$0x3FDB];
	_ =	sdelay $0x1  }
0x99: {  	s4 =	simm.s32 $_scs_section_size  }
0x9a: {  	s5 =	simm.s32 $_size__tile_overlayer_lowered;
	s6 =	simm.s32 $_tile_overlayer_lowered  }
0x9b: {  	s22 =	simm.s32 $0x1BFF;
	s21 =	sshll.u32 s6, $0x1;
	s3 =	sadd.s32 s4, s19  }
0x9c: {  	s7 =	simm.s32 $0x0;
	s20 =	sshll.u32 s5, $0x1;
	s5 =	sadd.s32 s21, s3  }
0x9d: {  	[timem:s7], [sflag:s22] =	dma.local [hbm:s5], s20  }
0x9e: {  	_ =	swait.ge [sflag:s22], s20  }
0x9f: {  	s4 =	ssub.s32 $0x0, s20;
	[sflag:s22] =	ssyncset.done $0x0  }
0xa0: {  	[sflag:s22] =	ssyncadd.s32 s4;
	_ =	sdelay $0x1  }
0xa1: {  	s23 =	simm.s32 $0x1B8B  }
0xa2: {  	_ =	swait.ge [sflag:s23], $0x1  }
0xa3: {  	[sflag:s23] =	ssyncset.done $0x0  }
0xa4: {  	s25 =	simm.s32 $0x1B8E;
	s24 =	sld [smem:$0x3FFE];
	[sflag:s23] =	ssyncadd.s32 $0xFFFFFFFF  }
0xa5: {  	s26 =	simm.s32 $execute0_lowered;
	[smem:$0x3FD2] =	sst s25  }
0xa6: {  	s5 =	sshll.u32 s26, $0x1;
	_ =	strace $0x80000046;
	[dreg:$0x1] =	wrdreg $0xFFFFFFFF  }
0xa7: {  	s28 =	simm.s32 $_size_execute0_lowered;
	s3 =	sadd.s32 s3, s5;
	[dreg:$0x0] =	wrdreg $0x0  }
0xa8: {  	s5 =	sshll.u32 s28, $0x1;
	[dreg:$0x2] =	wrdreg s3  }
0xa9: {  	[dreg:$0x3] =	wrdreg s5  }
0xaa: {  	[dreg:$0x4] =	wrdreg $0xC0  }
0xab: {  	_ =	task [dreg:s7], $0x5FFFF  }
0xac: {  	[dreg:$0x1] =	wrdreg $0xFFFFFFFF  }
0xad: {  	[dreg:$0x0] =	wrdreg $0x60  }
0xae: {  	[dreg:$0x2] =	wrdreg s2  }
0xaf: {  	[dreg:$0x3] =	wrdreg s24  }
0xb0: {  	[dreg:$0x4] =	wrdreg $0x7A000  }
0xb1: {  	[dreg:$0x5] =	wrdreg $0x9  }
0xb2: {  	_ =	task.clear_ibuf [dreg:s7], $0x6FFFF;
	_ =	strace $0x90000046  }
0xb3: {  	s29 =	simm.s32 $0x9;
	_ =	strace $0x80000048  }
0xb4: {  	_ =	swait.ge [sflag:s29], $0x1  }
0xb5: {  	[sflag:s29] =	ssyncadd.s32 $0xFFFFFFFF  }
0xb6: {  	_ =	strace $0x90000048  }
0xb7: {  	_ =	sfence  }
0xb8: {  	s30 =	sld [smem:$0x0];
	_ =	sdelay $0x2  }
0xb9: {  	s31 =	sshll.u32 s1, $0xD;
	s1 =	sshrl.u32 s1, $0x2  }
0xba: {  	s3 =	sand.u32 $0x4000, s31;
	s1 =	sadd.s32 s1, s30  }
0xbb: {  	s0 =	sor.u32 s3, s0;
	s1 =	sshll.u32 s1, $0x11  }
0xbc: {  	s0 =	sor.u32 s1, s0  }
0xbd: {  	s0 =	sadd.s32 $0x8F2B, s0  }
0xbe: {  	[sflag:s0] =	ssyncadd.remote.s32 $0x1  }
0xbf: {  	_ =	sfence.sel $0xFFFF  }
0xc0: {  	[dreg:$0x0] =	wrdreg $0xFFFFFFFF;
	(pc) =	sbr.abs _section_cstart, $3  }
0xc1: {  	[dreg:$0x1] =	wrdreg $0xFFFFFFFF  }
0xc2: {  	_ =	task.clear_ibuf [dreg:s7], $0x2FFFF;
	_ =	strace $0x9FFFFFFF  }
0xc3: {  	(tm) =	ssettm $0x7FFFFFFF  }
tec
execute0_lowered:
.L_overlay_start_1:
0x0: {  	(tag) =	ssettag $0x1  }
0x1: {  	s1 =	rddreg [dreg:$0x0]  }
0x2: {  	s0 =	rddreg [dreg:$0x1]  }
0x3: {  	s2 =	rddreg [dreg:$0x2];
	s3 =	srdreg.scid;
	s4 =	simm.s32 $0x0  }
0x4: {  	s10 =	stileid.u32;
	s28 =	simm.s32 $0x2;
	s29 =	simm.s32 $0x3E00  }
0x5: {  	s30 =	simm.s32 $0x3;
	s31 =	simm.s32 $0x4;
	s8 =	smul.u32 $0x14000, s10  }
0x6: {  	s3 =	sand.u32 $0x1, s3;
	[smem:$0x7FF] =	sst s4;
	s19 =	smul.u32 $0x50000, s10  }
0x7: {  	s5 =	sadd.s32 $0x2400, s0;
	s7 =	smul.u32 $0x140000, s3;
	s6 =	sshll.u32 s3, $0x4  }
0x8: {  	_ =	strace $0x80000047;
	s3 =	ssub.s32 $0x2, s3;
	s9 =	sor.u32 s10, s6  }
0x9: {  	s6 =	sadd.s32 $0xD400, s0;
	s20 =	sshrl.u32 s3, $0x1;
	s23 =	sshrl.u32 s19, $0x2  }
0xa: {  	s8 =	sadd.s32 s8, s7;
	s7 =	smul.u32 $0x2C00, s9;
	s3 =	ssub.s32 s3, s20  }
0xb: {  	s10 =	sadd.s32 s23, s2;
	s20 =	simm.s32 $0x100;
	s23 =	simm.s32 $0x200  }
0xc: {  	s8 =	sshrl.u32 s8, $0x3;
	s13 =	sadd.s32 $0x3C00, s10;
	s14 =	sadd.s32 $0x7800, s10  }
0xd: {  	s15 =	sadd.s32 $0xB400, s10;
	s16 =	sadd.s32 $0xF000, s10;
	s17 =	sadd.s32 $0x12C00, s10  }
0xe: {  	s19 =	smax.u32 s3, $0x1;
	s0 =	sadd.s32 s8, s0;
	s21 =	sshrl.u32 s7, $0x3  }
0xf: {  	s22 =	sadd.s32 s5, s21;
	s24 =	sadd.s32 s6, s21;
	s25 =	sor.u32 $0x10, s21  }
0x10: {  	s18 =	sadd.s32 $0x18400, s0;
	s21 =	simm.s32 $0x80;
	[dreg:$0x4] =	wrdreg s22  }
0x11: {  	s0 =	simm.s32 $0x0;
	[dreg:$0x5] =	wrdreg s24;
	s26 =	sadd.s32 s5, s25  }
0x12: {  	s12 =	sadd.s32 s6, s25;
	s22 =	simm.s32 $0x180;
	s24 =	simm.s32 $0x5  }
0x13: {  	v0 =	vimm.f32 $0.0e+00;
	s25 =	simm.s32 $0x1;
	[dreg:$0x6] =	wrdreg s26;
	s26 =	simm.s32 $0x78  }
.LBB2_1:
0x14: {  	s3 =	rddreg [dreg:$0x4]  }
0x15: {  	[tilespmem:s4], [sflag:$0x1] =	stream.linear.gather [hbm4b:s3+s4], $0x80, $0x38;
	[tilespmem:$0x1BA00] =	vst v63  }
0x16: {  	s8 =	rddreg [dreg:$0x5]  }
0x17: {  	[tilespmem:s20], [sflag:$0x1] =	stream.linear.gather [hbm4b:s8+s4], $0x80, $0x38;
	[tilespmem:$0x1BA00] =	vst v63  }
0x18: {  	s9 =	rddreg [dreg:$0x6];
	s11 =	sand.u32 $0xFE00, s4  }
0x19: {  	[tilespmem:s21], [sflag:$0x2] =	stream.linear.gather [hbm4b:s9+s4], $0x80, $0x38;
	[tilespmem:$0x1BA00] =	vst v63  }
0x1a: {  	s8 =	sand.u32 $0x70, s4;
	s9 =	sshrl.u32 s11, $0x2  }
0x1b: {  	s3 =	simm.s32 $0x40;
	s9 =	sor.u32 s8, s9;
	s8 =	simm.s32 $0x0  }
0x1c: {  	[tilespmem:s22], [sflag:$0x2] =	stream.linear.gather [hbm4b:s12+s4], $0x80, $0x38;
	[tilespmem:$0x1BA00] =	vst v63  }
.LBB2_2:
0x1d: {  	p0 =	sne.s32 s3, $0xEFC0  }
0x1e: {  	[tilespmem:s9+$0x200] =	vst v0;
	s8 =	sadd.s32 $0x10, s8;
	s9 =	smov.u32 s3;
	s3 =	sadd.s32 $0x40, s3  }
.Ltmp0:
0x1f: {  	(pc) =	sbr.rel @p0 .LBB2_2-.Ltmp0, $4  }
0x20: {  	_ = 	snop  }
0x21: {  	s9 =	sand.u32 $0xFE00, s9  }
0x22: {  	s11 =	sand.u32 $0x70, s8;
	s9 =	sshrl.u32 s9, $0x2  }
0x23: {  	s9 =	sor.u32 s11, s9  }
0x24: {  	[tilespmem:s9+$0x200] =	vst v0  }
0x25: {  	[spmem:s10] =	stream.linear.scatter [tilespmem:s23], [sflag:$0x5], $0x3C00, $0x38;
	[tilespmem:$0x1BA00] =	vst v63  }
0x26: {  	_ =	swait.ge [sflag:s24], $0x3C00  }
0x27: {  	[sflag:s24] =	ssyncset.done $0x0  }
0x28: {  	[sflag:s24] =	ssyncadd.s32 $0xFFFFC400  }
0x29: {  	[spmem:s13] =	stream.linear.scatter [tilespmem:s23], [sflag:$0x5], $0x3C00, $0x38;
	[tilespmem:$0x1BA00] =	vst v63  }
0x2a: {  	_ =	swait.ge [sflag:s24], $0x3C00  }
0x2b: {  	[sflag:s24] =	ssyncset.done $0x0  }
0x2c: {  	[sflag:s24] =	ssyncadd.s32 $0xFFFFC400  }
0x2d: {  	[spmem:s14] =	stream.linear.scatter [tilespmem:s23], [sflag:$0x5], $0x3C00, $0x38;
	[tilespmem:$0x1BA00] =	vst v63  }
0x2e: {  	_ =	swait.ge [sflag:s24], $0x3C00  }
0x2f: {  	[sflag:s24] =	ssyncset.done $0x0  }
0x30: {  	[sflag:s24] =	ssyncadd.s32 $0xFFFFC400  }
0x31: {  	[spmem:s15] =	stream.linear.scatter [tilespmem:s23], [sflag:$0x5], $0x3C00, $0x38;
	[tilespmem:$0x1BA00] =	vst v63  }
0x32: {  	_ =	swait.ge [sflag:s24], $0x3C00  }
0x33: {  	[sflag:s24] =	ssyncset.done $0x0  }
0x34: {  	[sflag:s24] =	ssyncadd.s32 $0xFFFFC400  }
0x35: {  	[spmem:s16] =	stream.linear.scatter [tilespmem:s23], [sflag:$0x5], $0x3C00, $0x38;
	[tilespmem:$0x1BA00] =	vst v63  }
0x36: {  	_ =	swait.ge [sflag:s24], $0x3C00  }
0x37: {  	[sflag:s24] =	ssyncset.done $0x0  }
0x38: {  	[sflag:s24] =	ssyncadd.s32 $0xFFFFC400  }
0x39: {  	[spmem:s17] =	stream.linear.scatter [tilespmem:s23], [sflag:$0x5], $0x1400, $0x38;
	[tilespmem:$0x1BA00] =	vst v63  }
0x3a: {  	_ =	swait.ge [sflag:s24], $0x1400  }
0x3b: {  	[sflag:s24] =	ssyncset.done $0x0  }
0x3c: {  	[sflag:s24] =	ssyncadd.s32 $0xFFFFEC00  }
0x3d: {  	[bflag:$0x0] =	sbarrier.arrive $0xFFFF  }
0x3e: {  	_ =	swait.ge [sflag:s25], $0x80  }
0x3f: {  	[sflag:s25] =	ssyncset.done $0x0  }
0x40: {  	[sflag:s25] =	ssyncadd.s32 $0xFFFFFF80  }
0x41: {  	_ =	swait.ge [sflag:s25], $0x80  }
0x42: {  	[sflag:s25] =	ssyncset.done $0x0  }
0x43: {  	[sflag:s25] =	ssyncadd.s32 $0xFFFFFF80  }
0x44: {  	[tilespmem:s23], [sflag:$0x3] =	stream.indirect.gather [hbm4b:s1+s26], $0x80, s4, s26, $0xb8;
	[tilespmem:$0x1BA00] =	vst v63  }
0x45: {  	_ =	swait.ge [sflag:s28], $0x80  }
0x46: {  	[sflag:s28] =	ssyncset.done $0x0  }
0x47: {  	[sflag:s28] =	ssyncadd.s32 $0xFFFFFF80  }
0x48: {  	_ =	swait.ge [sflag:s28], $0x80  }
0x49: {  	[sflag:s28] =	ssyncset.done $0x0  }
0x4a: {  	[sflag:s28] =	ssyncadd.s32 $0xFFFFFF80  }
0x4b: {  	[tilespmem:s29], [sflag:$0x4] =	stream.indirect.gather [hbm4b:s1+s26], $0x80, s21, s26, $0xb8;
	[tilespmem:$0x1BA00] =	vst v63  }
0x4c: {  	s3 =	simm.s32 $0x100;
	_ =	swait.ge [sflag:s30], $0x3C00  }
0x4d: {  	s8 =	sand.u32 $0x7C00, s3;
	[sflag:s30] =	ssyncset.done $0x0  }
0x4e: {  	s3 =	sand.u32 $0x300, s3;
	s8 =	sadd.s32 s7, s8;
	[sflag:s30] =	ssyncadd.s32 $0xFFFFC400  }
0x4f: {  	[spmem:s2] =	stream.indirect.scatter.add.f32 [tilespmem:s23], [sflag:$0x5], $0x80, s20, s26, $0xb8;
	[tilespmem:$0x1BA00] =	vst v63  }
0x50: {  	s3 =	sor.u32 s3, s8;
	_ =	swait.ge [sflag:s24], $0x3C00  }
0x51: {  	s3 =	sshrl.u32 s3, $0x3;
	[sflag:s24] =	ssyncset.done $0x0  }
0x52: {  	s11 =	sadd.s32 s5, s3;
	[sflag:s24] =	ssyncadd.s32 $0xFFFFC400  }
0x53: {  	[tilespmem:s4], [sflag:$0x1] =	stream.linear.gather [hbm4b:s11+s4], $0x80, $0x38;
	[tilespmem:$0x1BA00] =	vst v63  }
0x54: {  	s3 =	sadd.s32 s6, s3  }
0x55: {  	[tilespmem:s20], [sflag:$0x1] =	stream.linear.gather [hbm4b:s3+s4], $0x80, $0x38;
	[tilespmem:$0x1BA00] =	vst v63  }
0x56: {  	s9 =	simm.s32 $0x180;
	_ =	swait.ge [sflag:s31], $0x3C00  }
0x57: {  	s11 =	sand.u32 $0x7C00, s9;
	[sflag:s31] =	ssyncset.done $0x0  }
0x58: {  	s8 =	sadd.s32 s7, s11;
	s3 =	sand.u32 $0x380, s9;
	[sflag:s31] =	ssyncadd.s32 $0xFFFFC400  }
0x59: {  	[spmem:s2] =	stream.indirect.scatter.add.f32 [tilespmem:s29], [sflag:$0x5], $0x80, s22, s26, $0xb8;
	[tilespmem:$0x1BA00] =	vst v63  }
0x5a: {  	s3 =	sor.u32 s3, s8;
	_ =	swait.ge [sflag:s24], $0x3C00  }
0x5b: {  	s8 =	sshrl.u32 s3, $0x3;
	[sflag:s24] =	ssyncset.done $0x0  }
0x5c: {  	s3 =	sadd.s32 s5, s8;
	[sflag:s24] =	ssyncadd.s32 $0xFFFFC400  }
0x5d: {  	[tilespmem:s21], [sflag:$0x2] =	stream.linear.gather [hbm4b:s3+s4], $0x80, $0x38;
	[tilespmem:$0x1BA00] =	vst v63  }
0x5e: {  	s9 =	sadd.s32 s6, s8;
	s3 =	simm.s32 $0x280  }
.LBB2_4:
0x5f: {  	p0 =	sne.s32 s3, $0x2980;
	s8 =	smov.u32 s3;
	s3 =	sadd.s32 $0x100, s3  }
0x60: {  	[tilespmem:s22], [sflag:$0x2] =	stream.linear.gather [hbm4b:s9+s4], $0x80, $0x38;
	[tilespmem:$0x1BA00] =	vst v63  }
0x61: {  	_ =	swait.ge [sflag:s25], $0x80  }
0x62: {  	[sflag:s25] =	ssyncset.done $0x0  }
0x63: {  	[sflag:s25] =	ssyncadd.s32 $0xFFFFFF80  }
0x64: {  	_ =	swait.ge [sflag:s25], $0x80  }
0x65: {  	[sflag:s25] =	ssyncset.done $0x0  }
0x66: {  	[sflag:s25] =	ssyncadd.s32 $0xFFFFFF80  }
0x67: {  	[tilespmem:s23], [sflag:$0x3] =	stream.indirect.gather [hbm4b:s1+s26], $0x80, s4, s26, $0xb8;
	[tilespmem:$0x1BA00] =	vst v63  }
0x68: {  	_ =	swait.ge [sflag:s28], $0x80  }
0x69: {  	[sflag:s28] =	ssyncset.done $0x0  }
0x6a: {  	[sflag:s28] =	ssyncadd.s32 $0xFFFFFF80  }
0x6b: {  	_ =	swait.ge [sflag:s28], $0x80  }
0x6c: {  	[sflag:s28] =	ssyncset.done $0x0  }
0x6d: {  	[sflag:s28] =	ssyncadd.s32 $0xFFFFFF80  }
0x6e: {  	[tilespmem:s29], [sflag:$0x4] =	stream.indirect.gather [hbm4b:s1+s26], $0x80, s21, s26, $0xb8;
	[tilespmem:$0x1BA00] =	vst v63  }
0x6f: {  	_ =	swait.ge [sflag:s30], $0x3C00  }
0x70: {  	s9 =	sadd.s32 $0xFFFFFF80, s8;
	[sflag:s30] =	ssyncset.done $0x0  }
0x71: {  	s11 =	sand.u32 $0x7C00, s9;
	s9 =	sand.u32 $0x300, s9;
	[sflag:s30] =	ssyncadd.s32 $0xFFFFC400  }
0x72: {  	[spmem:s2] =	stream.indirect.scatter.add.f32 [tilespmem:s23], [sflag:$0x5], $0x80, s20, s26, $0xb8;
	[tilespmem:$0x1BA00] =	vst v63  }
0x73: {  	s11 =	sadd.s32 s7, s11;
	_ =	swait.ge [sflag:s24], $0x3C00  }
0x74: {  	s9 =	sor.u32 s9, s11;
	[sflag:s24] =	ssyncset.done $0x0  }
0x75: {  	s9 =	sshrl.u32 s9, $0x3;
	[sflag:s24] =	ssyncadd.s32 $0xFFFFC400  }
0x76: {  	s11 =	sadd.s32 s5, s9;
	s9 =	sadd.s32 s6, s9  }
0x77: {  	[tilespmem:s4], [sflag:$0x1] =	stream.linear.gather [hbm4b:s11+s4], $0x80, $0x38;
	[tilespmem:$0x1BA00] =	vst v63  }
0x78: {  	_ = 	snop  }
0x79: {  	[tilespmem:s20], [sflag:$0x1] =	stream.linear.gather [hbm4b:s9+s4], $0x80, $0x38;
	[tilespmem:$0x1BA00] =	vst v63  }
0x7a: {  	_ =	swait.ge [sflag:s31], $0x3C00  }
0x7b: {  	s9 =	sand.u32 $0x7C00, s8;
	[sflag:s31] =	ssyncset.done $0x0  }
0x7c: {  	s8 =	sand.u32 $0x380, s8;
	s9 =	sadd.s32 s7, s9;
	[sflag:s31] =	ssyncadd.s32 $0xFFFFC400  }
0x7d: {  	[spmem:s2] =	stream.indirect.scatter.add.f32 [tilespmem:s29], [sflag:$0x5], $0x80, s22, s26, $0xb8;
	[tilespmem:$0x1BA00] =	vst v63  }
.Ltmp1:
0x7e: {  	_ = 	snop;
	(pc) =	sbr.rel @p0 .LBB2_4-.Ltmp1, $4  }
0x7f: {  	s8 =	sor.u32 s8, s9;
	_ =	swait.ge [sflag:s24], $0x3C00  }
0x80: {  	s8 =	sshrl.u32 s8, $0x3;
	[sflag:s24] =	ssyncset.done $0x0  }
0x81: {  	s11 =	sadd.s32 s5, s8;
	s9 =	sadd.s32 s6, s8;
	[sflag:s24] =	ssyncadd.s32 $0xFFFFC400  }
0x82: {  	[tilespmem:s21], [sflag:$0x2] =	stream.linear.gather [hbm4b:s11+s4], $0x80, $0x38;
	[tilespmem:$0x1BA00] =	vst v63  }
0x83: {  	[tilespmem:s22], [sflag:$0x2] =	stream.linear.gather [hbm4b:s9+s4], $0x80, $0x38;
	[tilespmem:$0x1BA00] =	vst v63  }
0x84: {  	_ =	swait.ge [sflag:s25], $0x80  }
0x85: {  	[sflag:s25] =	ssyncset.done $0x0  }
0x86: {  	[sflag:s25] =	ssyncadd.s32 $0xFFFFFF80  }
0x87: {  	_ =	swait.ge [sflag:s25], $0x80  }
0x88: {  	[sflag:s25] =	ssyncset.done $0x0  }
0x89: {  	[sflag:s25] =	ssyncadd.s32 $0xFFFFFF80  }
0x8a: {  	[tilespmem:s23], [sflag:$0x3] =	stream.indirect.gather [hbm4b:s1+s26], $0x80, s4, s26, $0xb8;
	[tilespmem:$0x1BA00] =	vst v63  }
0x8b: {  	_ =	swait.ge [sflag:s28], $0x80  }
0x8c: {  	[sflag:s28] =	ssyncset.done $0x0  }
0x8d: {  	[sflag:s28] =	ssyncadd.s32 $0xFFFFFF80  }
0x8e: {  	_ =	swait.ge [sflag:s28], $0x80  }
0x8f: {  	[sflag:s28] =	ssyncset.done $0x0  }
0x90: {  	[sflag:s28] =	ssyncadd.s32 $0xFFFFFF80  }
0x91: {  	[tilespmem:s29], [sflag:$0x4] =	stream.indirect.gather [hbm4b:s1+s26], $0x80, s21, s26, $0xb8;
	[tilespmem:$0x1BA00] =	vst v63  }
0x92: {  	_ =	swait.ge [sflag:s30], $0x3C00  }
0x93: {  	[sflag:s30] =	ssyncset.done $0x0  }
0x94: {  	[sflag:s30] =	ssyncadd.s32 $0xFFFFC400  }
0x95: {  	[spmem:s2] =	stream.indirect.scatter.add.f32 [tilespmem:s23], [sflag:$0x5], $0x80, s20, s26, $0xb8;
	[tilespmem:$0x1BA00] =	vst v63  }
0x96: {  	_ =	swait.ge [sflag:s24], $0x3C00  }
0x97: {  	[sflag:s24] =	ssyncset.done $0x0  }
0x98: {  	[sflag:s24] =	ssyncadd.s32 $0xFFFFC400  }
0x99: {  	_ =	swait.ge [sflag:s31], $0x3C00  }
0x9a: {  	[sflag:s31] =	ssyncset.done $0x0  }
0x9b: {  	[sflag:s31] =	ssyncadd.s32 $0xFFFFC400  }
0x9c: {  	[spmem:s2] =	stream.indirect.scatter.add.f32 [tilespmem:s29], [sflag:$0x5], $0x80, s22, s26, $0xb8;
	[tilespmem:$0x1BA00] =	vst v63  }
0x9d: {  	s3 =	stileid.u32;
	_ =	swait.ge [sflag:s24], $0x3C00  }
0x9e: {  	s8 =	sshrl.u32 s10, $0x3;
	s0 =	sadd.s32 $0x1, s0;
	[sflag:s24] =	ssyncset.done $0x0  }
0x9f: {  	s3 =	sshll.u32 s3, $0x6;
	p0 =	sne.s32 s0, s19;
	[sflag:s24] =	ssyncadd.s32 $0xFFFFC400  }
.Ltmp2:
0xa0: {  	s3 =	sor.u32 $0x1C05, s3;
	[bflag:$0x0] =	sbarrier.arrive $0xFFFF;
	(pc) =	sbr.rel @p0 .LBB2_1-.Ltmp2, $4  }
0xa1: {  	[hbm:s18], [sflag:s3] =	dma.local [spmem:s8], $0x2800  }
0xa2: {  	_ =	swait.ge [sflag:s24], $0x2800  }
0xa3: {  	[sflag:s24] =	ssyncset.done $0x0  }
0xa4: {  	[sflag:s24] =	ssyncadd.s32 $0xFFFFD800  }
0xa5: {  	_ =	sfence.sel $0x180000  }
0xa6: {  	[bflag:$0x0] =	sbarrier.arrive $0xFFFF  }
0xa7: {  	_ =	strace $0x90000047  }
0xa8: {  	s0 =	stileid.u32;
	[bflag:$0x2] =	sbarrier.arrive $0xFFFF  }
0xa9: {  	p0 =	sne.s32 s0, $0x0;
	s0 =	rddreg [dreg:$0x3]  }
0xaa: {  	s0 =	sadd.s32 @!p0 $0x100000, s0  }
0xab: {  	[sflag:s0] =	ssyncadd.tile.s32 @!p0 $0x1;
	_ =	shalt  }
.Lfunc_end2:
_tile_overlayer_lowered:
.L_overlay_start_2:
0xac: {  	(tag) =	ssettag $0x2  }
0xad: {  	s0 =	rddreg [dreg:$0x0];
	s2 =	stileid.u32  }
0xae: {  	s1 =	rddreg [dreg:$0x1];
	p0 =	sne.s32 s2, $0x0  }
0xaf: {  	s3 =	rddreg [dreg:$0x2];
	[bflag:$0x3] =	sbarrier.arrive $0xFFFF;
	s2 =	simm.s32 @!p0 $0x1C05  }
0xb0: {  	[timem:s3], [sflag:s2] =	dma.local @!p0 [hbm:s0], s1  }
0xb1: {  	s0 =	simm.s32 @!p0 $0x5  }
0xb2: {  	_ =	swait.ge @!p0 [sflag:s0], s1  }
0xb3: {  	s1 =	ssub.s32 @!p0 $0x0, s1;
	[sflag:s0] =	ssyncset.done @!p0 $0x0  }
0xb4: {  	[sflag:s0] =	ssyncadd.s32 @!p0 s1  }
0xb5: {  	[bflag:$0x3] =	sbarrier.arrive $0xFFFF  }
0xb6: {  	_ =	shalt  }

// kernel: kernel.9.cloned.1.call-start
scs
__scs_entry_jumppad:
0x0: {  	(pc) =	sbr.rel $0x88, $3  }
0x1: {  	(tag) =	ssettag $0x0;
	lr =	simm.s32 $0x1  }
0x2: {  	[smem:$0x3F92] =	sst lr;
	_ =	strace $0xD0000000  }
0x3: {  	_ = 	snop  }
0x4: {  	_ = 	snop  }
0x5: {  	_ = 	snop  }
0x6: {  	_ = 	snop  }
0x7: {  	_ = 	snop  }
__scs_overlays_trampoline_lowered:
0x8: {  	[smem:$0x3FA1] =	sst s0  }
0x9: {  	[smem:$0x3FA2] =	sst s1  }
0xa: {  	[smem:$0x3FA3] =	sst s2  }
0xb: {  	[smem:$0x3FA4] =	sst s3  }
0xc: {  	[smem:$0x3FA5] =	sst s4  }
0xd: {  	[smem:$0x3FA6] =	sst s5  }
0xe: {  	[smem:$0x3FA7] =	sst s6  }
0xf: {  	[smem:$0x3FA8] =	sst s7  }
0x10: {  	[smem:$0x3FA9] =	sst s8  }
0x11: {  	[smem:$0x3FAA] =	sst s9;
	s0 =	simm.s32 @!p0 $0x0  }
0x12: {  	s1 =	sld [smem:$0x3F90];
	s0 =	simm.s32 @p0 $0x1  }
0x13: {  	[smem:$0x3FAB] =	sst s0;
	s0 =	simm.s32 @!p1 $0x0  }
0x14: {  	s2 =	sld [smem:$0x3F8F];
	s0 =	simm.s32 @p1 $0x1  }
0x15: {  	[smem:$0x3FAC] =	sst s0;
	s0 =	simm.s32 @!p2 $0x0  }
0x16: {  	s3 =	sld [smem:$0x3FDB];
	s0 =	simm.s32 @p2 $0x1  }
0x17: {  	s4 =	simm.s32 $0x1BF5;
	[smem:$0x3FAE] =	sst s0  }
0x18: {  	s0 =	sld [smem:$0x3F91];
	_ =	swait.ge [sflag:s4], $0x0  }
0x19: {  	s7 =	sld [smem:$0x3F92]  }
0x1a: {  	s8 =	sadd.s32 $0xFFFFE003, lr  }
0x1b: {  	s9 =	sadd.s32 $0xFFFFFEF7, lr;
	s5 =	simm.s32 $0xFFFFFFFF;
	p2 =	slt.u32 s8, $0xFFFFF086  }
0x1c: {  	p1 =	slt.u32 s9, $0xF7A;
	s5 =	simm.s32 @!p2 $0x0  }
0x1d: {  	s5 =	simm.s32 @p1 $0x1;
	p0 =	seq.s32 s7, s2  }
0x1e: {  	s7 =	smul.u32 @!p0 $0xF7A, s2;
	p2 =	seq.s32 @!p0 s5, $0x0  }
0x1f: {  	s9 =	smul.u32 $0xF7A, s1;
	s8 =	simm.s32 @!p0 $0x1BF5;
	p2 =	por !p2, p0  }
0x20: {  	[sflag:s8] =	ssyncset.s32 @!p0 $0xFFFFF086;
	s6 =	sadd.s32 @!p0 s3, s7;
	s7 =	simm.s32 @!p0 $0x108  }
0x21: {  	s3 =	sadd.s32 s3, s9;
	s6 =	sadd.s32 @!p0 $0x88, s6;
	s7 =	simm.s32 @p2 $0x1082  }
0x22: {  	[simem:s7], [sflag:s8] =	dma.local @!p0 [hbm:s6], $0xF7A  }
0x23: {  	s9 =	sor.u32 $0xD0000000, s2;
	s6 =	simm.s32 $0x108;
	_ =	swait.ge @!p0 [sflag:s8], $0x0  }
0x24: {  	s3 =	sadd.s32 $0x88, s3;
	s6 =	simm.s32 @!p1 $0x1082;
	[sflag:s4] =	ssyncset.s32 $0xFFFFF086  }
0x25: {  	[simem:s6], [sflag:s4] =	dma.local [hbm:s3], $0xF7A  }
0x26: {  	[smem:$0x3F92] =	sst s1;
	(tag) =	ssettag s2;
	_ =	strace s9  }
0x27: {  	s1 =	sld [smem:$0x3FA2]  }
0x28: {  	s2 =	sld [smem:$0x3FA3]  }
0x29: {  	s4 =	sld [smem:$0x3FA5]  }
0x2a: {  	p0 =	seq.s32 s5, $0x0;
	s5 =	sld [smem:$0x3FA6]  }
0x2b: {  	s6 =	sld [smem:$0x3FA7]  }
0x2c: {  	s7 =	sld [smem:$0x3FA8]  }
0x2d: {  	s3 =	simm.s32 $0x108;
	s8 =	sld [smem:$0x3FA9]  }
0x2e: {  	s3 =	simm.s32 @!p0 $0x1082;
	s9 =	sld [smem:$0x3FAA]  }
0x2f: {  	lr =	sadd.s32 s0, s3;
	s0 =	sld [smem:$0x3FA1]  }
0x30: {  	s3 =	sld [smem:$0x3FA4]  }
0x31: {  	[smem:$0x3FAD] =	sst s10  }
0x32: {  	s10 =	sld [smem:$0x3FAB];
	_ =	sdelay $0x3  }
0x33: {  	p0 =	seq.s32 s10, $0x1;
	s10 =	sld [smem:$0x3FAD];
	_ =	sdelay $0x3  }
0x34: {  	[smem:$0x3FAD] =	sst s10  }
0x35: {  	s10 =	sld [smem:$0x3FAC];
	_ =	sdelay $0x3  }
0x36: {  	p1 =	seq.s32 s10, $0x1;
	s10 =	sld [smem:$0x3FAD];
	_ =	sdelay $0x3  }
0x37: {  	[smem:$0x3FAD] =	sst s10  }
0x38: {  	s10 =	sld [smem:$0x3FAE]  }
0x39: {  	_ = 	snop;
	(pc) =	sbr.ind lr, $3  }
0x3a: {  	_ = 	snop  }
0x3b: {  	_ = 	snop  }
0x3c: {  	p2 =	seq.s32 s10, $0x1;
	s10 =	sld [smem:$0x3FAD]  }
0x3d: {  	_ =	shalt  }
0x3e: {  	_ =	shalt  }
0x3f: {  	_ =	shalt  }
0x40: {  	_ =	shalt  }
0x41: {  	_ =	shalt  }
0x42: {  	_ =	shalt  }
0x43: {  	_ =	shalt  }
0x44: {  	_ =	shalt  }
0x45: {  	_ =	shalt  }
0x46: {  	_ =	shalt  }
0x47: {  	_ =	shalt  }
0x48: {  	_ =	shalt  }
0x49: {  	_ =	shalt  }
0x4a: {  	_ =	shalt  }
0x4b: {  	_ =	shalt  }
0x4c: {  	_ =	shalt  }
0x4d: {  	_ =	shalt  }
0x4e: {  	_ =	shalt  }
0x4f: {  	_ =	shalt  }
0x50: {  	_ =	shalt  }
0x51: {  	_ =	shalt  }
0x52: {  	_ =	shalt  }
0x53: {  	_ =	shalt  }
0x54: {  	_ =	shalt  }
0x55: {  	_ =	shalt  }
0x56: {  	_ =	shalt  }
0x57: {  	_ =	shalt  }
0x58: {  	_ =	shalt  }
0x59: {  	_ =	shalt  }
0x5a: {  	_ =	shalt  }
0x5b: {  	_ =	shalt  }
0x5c: {  	_ =	shalt  }
0x5d: {  	_ =	shalt  }
0x5e: {  	_ =	shalt  }
0x5f: {  	_ =	shalt  }
0x60: {  	_ =	shalt  }
0x61: {  	_ =	shalt  }
0x62: {  	_ =	shalt  }
0x63: {  	_ =	shalt  }
0x64: {  	_ =	shalt  }
0x65: {  	_ =	shalt  }
0x66: {  	_ =	shalt  }
0x67: {  	_ =	shalt  }
0x68: {  	_ =	shalt  }
0x69: {  	_ =	shalt  }
0x6a: {  	_ =	shalt  }
0x6b: {  	_ =	shalt  }
0x6c: {  	_ =	shalt  }
0x6d: {  	_ =	shalt  }
0x6e: {  	_ =	shalt  }
0x6f: {  	_ =	shalt  }
0x70: {  	_ =	shalt  }
0x71: {  	_ =	shalt  }
0x72: {  	_ =	shalt  }
0x73: {  	_ =	shalt  }
0x74: {  	_ =	shalt  }
0x75: {  	_ =	shalt  }
0x76: {  	_ =	shalt  }
0x77: {  	_ =	shalt  }
0x78: {  	_ =	shalt  }
0x79: {  	_ =	shalt  }
0x7a: {  	_ =	shalt  }
0x7b: {  	_ =	shalt  }
0x7c: {  	_ =	shalt  }
0x7d: {  	_ =	shalt  }
0x7e: {  	_ =	shalt  }
0x7f: {  	_ =	shalt  }
0x80: {  	_ =	shalt  }
0x81: {  	_ =	shalt  }
0x82: {  	_ =	shalt  }
0x83: {  	_ =	shalt  }
0x84: {  	_ =	shalt  }
0x85: {  	_ =	shalt  }
0x86: {  	_ =	shalt  }
0x87: {  	_ =	shalt  }
.Lfunc_end0:
.L_simem_size_0:
called_computation.1_lowered:
.L_overlay_start_0:
0x88: {  	s2 =	sld [smem:$0x3FD9]  }
0x89: {  	s3 =	sld [smem:$0x3FFE];
	_ =	sdelay $0x1  }
0x8a: {  	s1 =	srdreg.scid  }
0x8b: {  	s0 =	sand.u32 $0x1, s1  }
0x8c: {  	s14 =	sshll.u32 s0, $0xA;
	s2 =	sadd.s32 s3, s2  }
0x8d: {  	s2 =	sadd.s32 s2, s14  }
0x8e: {  	[smem:$0x3FB9] =	sst s2  }
0x8f: {  	_ = 	snop  }
0x90: {  	s2 =	sld [smem:$0x3FD0];
	_ =	sdelay $0x2  }
0x91: {  	s15 =	simm.s32 $0xA;
	s4 =	simm.s32 $0x10  }
0x92: {  	[smem:s4], [sflag:s15] =	dma.local [hbm:s2], $0x1  }
0x93: {  	_ =	swait.eq [sflag:s15], $0x1  }
0x94: {  	[sflag:s15] =	ssyncset.done $0x0  }
0x95: {  	[sflag:s15] =	ssyncadd.s32 $0xFFFFFFFF  }
0x96: {  	s16 =	sld [smem:$0x11];
	(tm) =	ssettm $0x1  }
0x97: {  	s17 =	sld [smem:$0x3FFB];
	_ =	sdelay $0x3  }
0x98: {  	_ =	strace s17  }
0x99: {  	s3 =	sld [smem:$0x3FFC];
	_ =	sdelay $0x3  }
0x9a: {  	_ =	strace s3  }
0x9b: {  	s3 =	sld [smem:$0x3FFD];
	_ =	sdelay $0x3  }
0x9c: {  	_ =	strace s3  }
0x9d: {  	_ =	strace $0x8FFFFFFF  }
0x9e: {  	s18 =	sld [smem:$0x3FDB];
	_ =	sdelay $0x1  }
0x9f: {  	s19 =	simm.s32 $_scs_section_size  }
0xa0: {  	s5 =	simm.s32 $_size__tile_overlayer_lowered;
	s6 =	simm.s32 $_tile_overlayer_lowered  }
0xa1: {  	s22 =	simm.s32 $0x1BFF;
	s21 =	sshll.u32 s6, $0x1;
	s3 =	sadd.s32 s19, s18  }
0xa2: {  	s7 =	simm.s32 $0x0;
	s20 =	sshll.u32 s5, $0x1;
	s5 =	sadd.s32 s21, s3  }
0xa3: {  	[timem:s7], [sflag:s22] =	dma.local [hbm:s5], s20  }
0xa4: {  	_ =	swait.ge [sflag:s22], s20  }
0xa5: {  	s4 =	ssub.s32 $0x0, s20;
	[sflag:s22] =	ssyncset.done $0x0  }
0xa6: {  	[sflag:s22] =	ssyncadd.s32 s4;
	_ =	sdelay $0x1  }
0xa7: {  	s23 =	simm.s32 $0x1B8B  }
0xa8: {  	_ =	swait.ge [sflag:s23], $0x1  }
0xa9: {  	[sflag:s23] =	ssyncset.done $0x0  }
0xaa: {  	s25 =	simm.s32 $0x1B8E;
	s24 =	sld [smem:$0x3FFE];
	[sflag:s23] =	ssyncadd.s32 $0xFFFFFFFF  }
0xab: {  	s26 =	simm.s32 $execute0_lowered;
	[smem:$0x3FD2] =	sst s25  }
0xac: {  	s5 =	sshll.u32 s26, $0x1;
	_ =	strace $0x80000049;
	[dreg:$0x1] =	wrdreg $0xFFFFFFFF  }
0xad: {  	s28 =	simm.s32 $_size_execute0_lowered;
	s3 =	sadd.s32 s3, s5;
	[dreg:$0x0] =	wrdreg $0x0  }
0xae: {  	s5 =	sshll.u32 s28, $0x1;
	[dreg:$0x2] =	wrdreg s3  }
0xaf: {  	[dreg:$0x3] =	wrdreg s5  }
0xb0: {  	[dreg:$0x4] =	wrdreg $0xC0  }
0xb1: {  	_ =	task [dreg:s7], $0x5FFFF  }
0xb2: {  	[dreg:$0x1] =	wrdreg $0xFFFFFFFF  }
0xb3: {  	[dreg:$0x0] =	wrdreg $0x60  }
0xb4: {  	[dreg:$0x2] =	wrdreg s16  }
0xb5: {  	[dreg:$0x3] =	wrdreg s24  }
0xb6: {  	[dreg:$0x4] =	wrdreg $0x7A000  }
0xb7: {  	[dreg:$0x5] =	wrdreg $0x9  }
0xb8: {  	_ =	task.clear_ibuf [dreg:s7], $0x6FFFF;
	_ =	strace $0x90000049  }
0xb9: {  	s29 =	simm.s32 $0x9;
	_ =	strace $0x8000004B  }
0xba: {  	_ =	swait.ge [sflag:s29], $0x1  }
0xbb: {  	[sflag:s29] =	ssyncadd.s32 $0xFFFFFFFF  }
0xbc: {  	_ =	strace $0x9000004B  }
0xbd: {  	_ =	sfence  }
0xbe: {  	s30 =	sld [smem:$0x0];
	_ =	sdelay $0x2  }
0xbf: {  	s31 =	sshll.u32 s1, $0xD;
	s1 =	sshrl.u32 s1, $0x2  }
0xc0: {  	s3 =	sand.u32 $0x4000, s31;
	s1 =	sadd.s32 s1, s30  }
0xc1: {  	s0 =	sor.u32 s3, s0;
	s1 =	sshll.u32 s1, $0x11  }
0xc2: {  	s0 =	sor.u32 s1, s0  }
0xc3: {  	s0 =	sadd.s32 $0x8F2B, s0  }
0xc4: {  	[sflag:s0] =	ssyncadd.remote.s32 $0x1  }
0xc5: {  	_ =	sfence.sel $0xFFFF  }
0xc6: {  	[dreg:$0x0] =	wrdreg $0xFFFFFFFF;
	(pc) =	sbr.abs _section_cstart, $3  }
0xc7: {  	[dreg:$0x1] =	wrdreg $0xFFFFFFFF  }
0xc8: {  	_ =	task.clear_ibuf [dreg:s7], $0x2FFFF;
	_ =	strace $0x9FFFFFFF  }
0xc9: {  	(tm) =	ssettm $0x7FFFFFFF  }
tec
execute0_lowered:
.L_overlay_start_1:
0x0: {  	(tag) =	ssettag $0x1  }
0x1: {  	s1 =	rddreg [dreg:$0x0]  }
0x2: {  	s0 =	rddreg [dreg:$0x1]  }
0x3: {  	s2 =	rddreg [dreg:$0x2];
	s3 =	srdreg.scid;
	s4 =	simm.s32 $0x0  }
0x4: {  	s10 =	stileid.u32;
	s28 =	simm.s32 $0x2;
	s29 =	simm.s32 $0x3E00  }
0x5: {  	s30 =	simm.s32 $0x3;
	s31 =	simm.s32 $0x4;
	s8 =	smul.u32 $0x14000, s10  }
0x6: {  	s3 =	sand.u32 $0x1, s3;
	[smem:$0x7FF] =	sst s4;
	s19 =	smul.u32 $0x50000, s10  }
0x7: {  	s5 =	sadd.s32 $0x2400, s0;
	s7 =	smul.u32 $0x140000, s3;
	s6 =	sshll.u32 s3, $0x4  }
0x8: {  	_ =	strace $0x8000004A;
	s3 =	ssub.s32 $0x2, s3;
	s9 =	sor.u32 s10, s6  }
0x9: {  	s6 =	sadd.s32 $0xD400, s0;
	s20 =	sshrl.u32 s3, $0x1;
	s23 =	sshrl.u32 s19, $0x2  }
0xa: {  	s8 =	sadd.s32 s8, s7;
	s7 =	smul.u32 $0x2C00, s9;
	s3 =	ssub.s32 s3, s20  }
0xb: {  	s10 =	sadd.s32 s23, s2;
	s20 =	simm.s32 $0x100;
	s23 =	simm.s32 $0x200  }
0xc: {  	s8 =	sshrl.u32 s8, $0x3;
	s13 =	sadd.s32 $0x3C00, s10;
	s14 =	sadd.s32 $0x7800, s10  }
0xd: {  	s15 =	sadd.s32 $0xB400, s10;
	s16 =	sadd.s32 $0xF000, s10;
	s17 =	sadd.s32 $0x12C00, s10  }
0xe: {  	s19 =	smax.u32 s3, $0x1;
	s0 =	sadd.s32 s8, s0;
	s21 =	sshrl.u32 s7, $0x3  }
0xf: {  	s22 =	sadd.s32 s5, s21;
	s24 =	sadd.s32 s6, s21;
	s25 =	sor.u32 $0x10, s21  }
0x10: {  	s18 =	sadd.s32 $0x18400, s0;
	s21 =	simm.s32 $0x80;
	[dreg:$0x4] =	wrdreg s22  }
0x11: {  	s0 =	simm.s32 $0x0;
	[dreg:$0x5] =	wrdreg s24;
	s26 =	sadd.s32 s5, s25  }
0x12: {  	s12 =	sadd.s32 s6, s25;
	s22 =	simm.s32 $0x180;
	s24 =	simm.s32 $0x5  }
0x13: {  	v0 =	vimm.f32 $0.0e+00;
	s25 =	simm.s32 $0x1;
	[dreg:$0x6] =	wrdreg s26;
	s26 =	simm.s32 $0x78  }
.LBB2_1:
0x14: {  	s3 =	rddreg [dreg:$0x4]  }
0x15: {  	[tilespmem:s4], [sflag:$0x1] =	stream.linear.gather [hbm4b:s3+s4], $0x80, $0x38;
	[tilespmem:$0x1BA00] =	vst v63  }
0x16: {  	s8 =	rddreg [dreg:$0x5]  }
0x17: {  	[tilespmem:s20], [sflag:$0x1] =	stream.linear.gather [hbm4b:s8+s4], $0x80, $0x38;
	[tilespmem:$0x1BA00] =	vst v63  }
0x18: {  	s9 =	rddreg [dreg:$0x6];
	s11 =	sand.u32 $0xFE00, s4  }
0x19: {  	[tilespmem:s21], [sflag:$0x2] =	stream.linear.gather [hbm4b:s9+s4], $0x80, $0x38;
	[tilespmem:$0x1BA00] =	vst v63  }
0x1a: {  	s8 =	sand.u32 $0x70, s4;
	s9 =	sshrl.u32 s11, $0x2  }
0x1b: {  	s3 =	simm.s32 $0x40;
	s9 =	sor.u32 s8, s9;
	s8 =	simm.s32 $0x0  }
0x1c: {  	[tilespmem:s22], [sflag:$0x2] =	stream.linear.gather [hbm4b:s12+s4], $0x80, $0x38;
	[tilespmem:$0x1BA00] =	vst v63  }
.LBB2_2:
0x1d: {  	p0 =	sne.s32 s3, $0xEFC0  }
0x1e: {  	[tilespmem:s9+$0x200] =	vst v0;
	s8 =	sadd.s32 $0x10, s8;
	s9 =	smov.u32 s3;
	s3 =	sadd.s32 $0x40, s3  }
.Ltmp0:
0x1f: {  	(pc) =	sbr.rel @p0 .LBB2_2-.Ltmp0, $4  }
0x20: {  	_ = 	snop  }
0x21: {  	s9 =	sand.u32 $0xFE00, s9  }
0x22: {  	s11 =	sand.u32 $0x70, s8;
	s9 =	sshrl.u32 s9, $0x2  }
0x23: {  	s9 =	sor.u32 s11, s9  }
0x24: {  	[tilespmem:s9+$0x200] =	vst v0  }
0x25: {  	[spmem:s10] =	stream.linear.scatter [tilespmem:s23], [sflag:$0x5], $0x3C00, $0x38;
	[tilespmem:$0x1BA00] =	vst v63  }
0x26: {  	_ =	swait.ge [sflag:s24], $0x3C00  }
0x27: {  	[sflag:s24] =	ssyncset.done $0x0  }
0x28: {  	[sflag:s24] =	ssyncadd.s32 $0xFFFFC400  }
0x29: {  	[spmem:s13] =	stream.linear.scatter [tilespmem:s23], [sflag:$0x5], $0x3C00, $0x38;
	[tilespmem:$0x1BA00] =	vst v63  }
0x2a: {  	_ =	swait.ge [sflag:s24], $0x3C00  }
0x2b: {  	[sflag:s24] =	ssyncset.done $0x0  }
0x2c: {  	[sflag:s24] =	ssyncadd.s32 $0xFFFFC400  }
0x2d: {  	[spmem:s14] =	stream.linear.scatter [tilespmem:s23], [sflag:$0x5], $0x3C00, $0x38;
	[tilespmem:$0x1BA00] =	vst v63  }
0x2e: {  	_ =	swait.ge [sflag:s24], $0x3C00  }
0x2f: {  	[sflag:s24] =	ssyncset.done $0x0  }
0x30: {  	[sflag:s24] =	ssyncadd.s32 $0xFFFFC400  }
0x31: {  	[spmem:s15] =	stream.linear.scatter [tilespmem:s23], [sflag:$0x5], $0x3C00, $0x38;
	[tilespmem:$0x1BA00] =	vst v63  }
0x32: {  	_ =	swait.ge [sflag:s24], $0x3C00  }
0x33: {  	[sflag:s24] =	ssyncset.done $0x0  }
0x34: {  	[sflag:s24] =	ssyncadd.s32 $0xFFFFC400  }
0x35: {  	[spmem:s16] =	stream.linear.scatter [tilespmem:s23], [sflag:$0x5], $0x3C00, $0x38;
	[tilespmem:$0x1BA00] =	vst v63  }
0x36: {  	_ =	swait.ge [sflag:s24], $0x3C00  }
0x37: {  	[sflag:s24] =	ssyncset.done $0x0  }
0x38: {  	[sflag:s24] =	ssyncadd.s32 $0xFFFFC400  }
0x39: {  	[spmem:s17] =	stream.linear.scatter [tilespmem:s23], [sflag:$0x5], $0x1400, $0x38;
	[tilespmem:$0x1BA00] =	vst v63  }
0x3a: {  	_ =	swait.ge [sflag:s24], $0x1400  }
0x3b: {  	[sflag:s24] =	ssyncset.done $0x0  }
0x3c: {  	[sflag:s24] =	ssyncadd.s32 $0xFFFFEC00  }
0x3d: {  	[bflag:$0x0] =	sbarrier.arrive $0xFFFF  }
0x3e: {  	_ =	swait.ge [sflag:s25], $0x80  }
0x3f: {  	[sflag:s25] =	ssyncset.done $0x0  }
0x40: {  	[sflag:s25] =	ssyncadd.s32 $0xFFFFFF80  }
0x41: {  	_ =	swait.ge [sflag:s25], $0x80  }
0x42: {  	[sflag:s25] =	ssyncset.done $0x0  }
0x43: {  	[sflag:s25] =	ssyncadd.s32 $0xFFFFFF80  }
0x44: {  	[tilespmem:s23], [sflag:$0x3] =	stream.indirect.gather [hbm4b:s1+s26], $0x80, s4, s26, $0xb8;
	[tilespmem:$0x1BA00] =	vst v63  }
0x45: {  	_ =	swait.ge [sflag:s28], $0x80  }
0x46: {  	[sflag:s28] =	ssyncset.done $0x0  }
0x47: {  	[sflag:s28] =	ssyncadd.s32 $0xFFFFFF80  }
0x48: {  	_ =	swait.ge [sflag:s28], $0x80  }
0x49: {  	[sflag:s28] =	ssyncset.done $0x0  }
0x4a: {  	[sflag:s28] =	ssyncadd.s32 $0xFFFFFF80  }
0x4b: {  	[tilespmem:s29], [sflag:$0x4] =	stream.indirect.gather [hbm4b:s1+s26], $0x80, s21, s26, $0xb8;
	[tilespmem:$0x1BA00] =	vst v63  }
0x4c: {  	s3 =	simm.s32 $0x100;
	_ =	swait.ge [sflag:s30], $0x3C00  }
0x4d: {  	s8 =	sand.u32 $0x7C00, s3;
	[sflag:s30] =	ssyncset.done $0x0  }
0x4e: {  	s3 =	sand.u32 $0x300, s3;
	s8 =	sadd.s32 s7, s8;
	[sflag:s30] =	ssyncadd.s32 $0xFFFFC400  }
0x4f: {  	[spmem:s2] =	stream.indirect.scatter.add.f32 [tilespmem:s23], [sflag:$0x5], $0x80, s20, s26, $0xb8;
	[tilespmem:$0x1BA00] =	vst v63  }
0x50: {  	s3 =	sor.u32 s3, s8;
	_ =	swait.ge [sflag:s24], $0x3C00  }
0x51: {  	s3 =	sshrl.u32 s3, $0x3;
	[sflag:s24] =	ssyncset.done $0x0  }
0x52: {  	s11 =	sadd.s32 s5, s3;
	[sflag:s24] =	ssyncadd.s32 $0xFFFFC400  }
0x53: {  	[tilespmem:s4], [sflag:$0x1] =	stream.linear.gather [hbm4b:s11+s4], $0x80, $0x38;
	[tilespmem:$0x1BA00] =	vst v63  }
0x54: {  	s3 =	sadd.s32 s6, s3  }
0x55: {  	[tilespmem:s20], [sflag:$0x1] =	stream.linear.gather [hbm4b:s3+s4], $0x80, $0x38;
	[tilespmem:$0x1BA00] =	vst v63  }
0x56: {  	s9 =	simm.s32 $0x180;
	_ =	swait.ge [sflag:s31], $0x3C00  }
0x57: {  	s11 =	sand.u32 $0x7C00, s9;
	[sflag:s31] =	ssyncset.done $0x0  }
0x58: {  	s8 =	sadd.s32 s7, s11;
	s3 =	sand.u32 $0x380, s9;
	[sflag:s31] =	ssyncadd.s32 $0xFFFFC400  }
0x59: {  	[spmem:s2] =	stream.indirect.scatter.add.f32 [tilespmem:s29], [sflag:$0x5], $0x80, s22, s26, $0xb8;
	[tilespmem:$0x1BA00] =	vst v63  }
0x5a: {  	s3 =	sor.u32 s3, s8;
	_ =	swait.ge [sflag:s24], $0x3C00  }
0x5b: {  	s8 =	sshrl.u32 s3, $0x3;
	[sflag:s24] =	ssyncset.done $0x0  }
0x5c: {  	s3 =	sadd.s32 s5, s8;
	[sflag:s24] =	ssyncadd.s32 $0xFFFFC400  }
0x5d: {  	[tilespmem:s21], [sflag:$0x2] =	stream.linear.gather [hbm4b:s3+s4], $0x80, $0x38;
	[tilespmem:$0x1BA00] =	vst v63  }
0x5e: {  	s9 =	sadd.s32 s6, s8;
	s3 =	simm.s32 $0x280  }
.LBB2_4:
0x5f: {  	p0 =	sne.s32 s3, $0x2980;
	s8 =	smov.u32 s3;
	s3 =	sadd.s32 $0x100, s3  }
0x60: {  	[tilespmem:s22], [sflag:$0x2] =	stream.linear.gather [hbm4b:s9+s4], $0x80, $0x38;
	[tilespmem:$0x1BA00] =	vst v63  }
0x61: {  	_ =	swait.ge [sflag:s25], $0x80  }
0x62: {  	[sflag:s25] =	ssyncset.done $0x0  }
0x63: {  	[sflag:s25] =	ssyncadd.s32 $0xFFFFFF80  }
0x64: {  	_ =	swait.ge [sflag:s25], $0x80  }
0x65: {  	[sflag:s25] =	ssyncset.done $0x0  }
0x66: {  	[sflag:s25] =	ssyncadd.s32 $0xFFFFFF80  }
0x67: {  	[tilespmem:s23], [sflag:$0x3] =	stream.indirect.gather [hbm4b:s1+s26], $0x80, s4, s26, $0xb8;
	[tilespmem:$0x1BA00] =	vst v63  }
0x68: {  	_ =	swait.ge [sflag:s28], $0x80  }
0x69: {  	[sflag:s28] =	ssyncset.done $0x0  }
0x6a: {  	[sflag:s28] =	ssyncadd.s32 $0xFFFFFF80  }
0x6b: {  	_ =	swait.ge [sflag:s28], $0x80  }
0x6c: {  	[sflag:s28] =	ssyncset.done $0x0  }
0x6d: {  	[sflag:s28] =	ssyncadd.s32 $0xFFFFFF80  }
0x6e: {  	[tilespmem:s29], [sflag:$0x4] =	stream.indirect.gather [hbm4b:s1+s26], $0x80, s21, s26, $0xb8;
	[tilespmem:$0x1BA00] =	vst v63  }
0x6f: {  	_ =	swait.ge [sflag:s30], $0x3C00  }
0x70: {  	s9 =	sadd.s32 $0xFFFFFF80, s8;
	[sflag:s30] =	ssyncset.done $0x0  }
0x71: {  	s11 =	sand.u32 $0x7C00, s9;
	s9 =	sand.u32 $0x300, s9;
	[sflag:s30] =	ssyncadd.s32 $0xFFFFC400  }
0x72: {  	[spmem:s2] =	stream.indirect.scatter.add.f32 [tilespmem:s23], [sflag:$0x5], $0x80, s20, s26, $0xb8;
	[tilespmem:$0x1BA00] =	vst v63  }
0x73: {  	s11 =	sadd.s32 s7, s11;
	_ =	swait.ge [sflag:s24], $0x3C00  }
0x74: {  	s9 =	sor.u32 s9, s11;
	[sflag:s24] =	ssyncset.done $0x0  }
0x75: {  	s9 =	sshrl.u32 s9, $0x3;
	[sflag:s24] =	ssyncadd.s32 $0xFFFFC400  }
0x76: {  	s11 =	sadd.s32 s5, s9;
	s9 =	sadd.s32 s6, s9  }
0x77: {  	[tilespmem:s4], [sflag:$0x1] =	stream.linear.gather [hbm4b:s11+s4], $0x80, $0x38;
	[tilespmem:$0x1BA00] =	vst v63  }
0x78: {  	_ = 	snop  }
0x79: {  	[tilespmem:s20], [sflag:$0x1] =	stream.linear.gather [hbm4b:s9+s4], $0x80, $0x38;
	[tilespmem:$0x1BA00] =	vst v63  }
0x7a: {  	_ =	swait.ge [sflag:s31], $0x3C00  }
0x7b: {  	s9 =	sand.u32 $0x7C00, s8;
	[sflag:s31] =	ssyncset.done $0x0  }
0x7c: {  	s8 =	sand.u32 $0x380, s8;
	s9 =	sadd.s32 s7, s9;
	[sflag:s31] =	ssyncadd.s32 $0xFFFFC400  }
0x7d: {  	[spmem:s2] =	stream.indirect.scatter.add.f32 [tilespmem:s29], [sflag:$0x5], $0x80, s22, s26, $0xb8;
	[tilespmem:$0x1BA00] =	vst v63  }
.Ltmp1:
0x7e: {  	_ = 	snop;
	(pc) =	sbr.rel @p0 .LBB2_4-.Ltmp1, $4  }
0x7f: {  	s8 =	sor.u32 s8, s9;
	_ =	swait.ge [sflag:s24], $0x3C00  }
0x80: {  	s8 =	sshrl.u32 s8, $0x3;
	[sflag:s24] =	ssyncset.done $0x0  }
0x81: {  	s11 =	sadd.s32 s5, s8;
	s9 =	sadd.s32 s6, s8;
	[sflag:s24] =	ssyncadd.s32 $0xFFFFC400  }
0x82: {  	[tilespmem:s21], [sflag:$0x2] =	stream.linear.gather [hbm4b:s11+s4], $0x80, $0x38;
	[tilespmem:$0x1BA00] =	vst v63  }
0x83: {  	[tilespmem:s22], [sflag:$0x2] =	stream.linear.gather [hbm4b:s9+s4], $0x80, $0x38;
	[tilespmem:$0x1BA00] =	vst v63  }
0x84: {  	_ =	swait.ge [sflag:s25], $0x80  }
0x85: {  	[sflag:s25] =	ssyncset.done $0x0  }
0x86: {  	[sflag:s25] =	ssyncadd.s32 $0xFFFFFF80  }
0x87: {  	_ =	swait.ge [sflag:s25], $0x80  }
0x88: {  	[sflag:s25] =	ssyncset.done $0x0  }
0x89: {  	[sflag:s25] =	ssyncadd.s32 $0xFFFFFF80  }
0x8a: {  	[tilespmem:s23], [sflag:$0x3] =	stream.indirect.gather [hbm4b:s1+s26], $0x80, s4, s26, $0xb8;
	[tilespmem:$0x1BA00] =	vst v63  }
0x8b: {  	_ =	swait.ge [sflag:s28], $0x80  }
0x8c: {  	[sflag:s28] =	ssyncset.done $0x0  }
0x8d: {  	[sflag:s28] =	ssyncadd.s32 $0xFFFFFF80  }
0x8e: {  	_ =	swait.ge [sflag:s28], $0x80  }
0x8f: {  	[sflag:s28] =	ssyncset.done $0x0  }
0x90: {  	[sflag:s28] =	ssyncadd.s32 $0xFFFFFF80  }
0x91: {  	[tilespmem:s29], [sflag:$0x4] =	stream.indirect.gather [hbm4b:s1+s26], $0x80, s21, s26, $0xb8;
	[tilespmem:$0x1BA00] =	vst v63  }
0x92: {  	_ =	swait.ge [sflag:s30], $0x3C00  }
0x93: {  	[sflag:s30] =	ssyncset.done $0x0  }
0x94: {  	[sflag:s30] =	ssyncadd.s32 $0xFFFFC400  }
0x95: {  	[spmem:s2] =	stream.indirect.scatter.add.f32 [tilespmem:s23], [sflag:$0x5], $0x80, s20, s26, $0xb8;
	[tilespmem:$0x1BA00] =	vst v63  }
0x96: {  	_ =	swait.ge [sflag:s24], $0x3C00  }
0x97: {  	[sflag:s24] =	ssyncset.done $0x0  }
0x98: {  	[sflag:s24] =	ssyncadd.s32 $0xFFFFC400  }
0x99: {  	_ =	swait.ge [sflag:s31], $0x3C00  }
0x9a: {  	[sflag:s31] =	ssyncset.done $0x0  }
0x9b: {  	[sflag:s31] =	ssyncadd.s32 $0xFFFFC400  }
0x9c: {  	[spmem:s2] =	stream.indirect.scatter.add.f32 [tilespmem:s29], [sflag:$0x5], $0x80, s22, s26, $0xb8;
	[tilespmem:$0x1BA00] =	vst v63  }
0x9d: {  	s3 =	stileid.u32;
	_ =	swait.ge [sflag:s24], $0x3C00  }
0x9e: {  	s8 =	sshrl.u32 s10, $0x3;
	s0 =	sadd.s32 $0x1, s0;
	[sflag:s24] =	ssyncset.done $0x0  }
0x9f: {  	s3 =	sshll.u32 s3, $0x6;
	p0 =	sne.s32 s0, s19;
	[sflag:s24] =	ssyncadd.s32 $0xFFFFC400  }
.Ltmp2:
0xa0: {  	s3 =	sor.u32 $0x1C05, s3;
	[bflag:$0x0] =	sbarrier.arrive $0xFFFF;
	(pc) =	sbr.rel @p0 .LBB2_1-.Ltmp2, $4  }
0xa1: {  	[hbm:s18], [sflag:s3] =	dma.local [spmem:s8], $0x2800  }
0xa2: {  	_ =	swait.ge [sflag:s24], $0x2800  }
0xa3: {  	[sflag:s24] =	ssyncset.done $0x0  }
0xa4: {  	[sflag:s24] =	ssyncadd.s32 $0xFFFFD800  }
0xa5: {  	_ =	sfence.sel $0x180000  }
0xa6: {  	[bflag:$0x0] =	sbarrier.arrive $0xFFFF  }
0xa7: {  	_ =	strace $0x9000004A  }
0xa8: {  	s0 =	stileid.u32;
	[bflag:$0x2] =	sbarrier.arrive $0xFFFF  }
0xa9: {  	p0 =	sne.s32 s0, $0x0;
	s0 =	rddreg [dreg:$0x3]  }
0xaa: {  	s0 =	sadd.s32 @!p0 $0x100000, s0  }
0xab: {  	[sflag:s0] =	ssyncadd.tile.s32 @!p0 $0x1;
	_ =	shalt  }
.Lfunc_end2:
_tile_overlayer_lowered:
.L_overlay_start_2:
0xac: {  	(tag) =	ssettag $0x2  }
0xad: {  	s0 =	rddreg [dreg:$0x0];
	s2 =	stileid.u32  }
0xae: {  	s1 =	rddreg [dreg:$0x1];
	p0 =	sne.s32 s2, $0x0  }
0xaf: {  	s3 =	rddreg [dreg:$0x2];
	[bflag:$0x3] =	sbarrier.arrive $0xFFFF;
	s2 =	simm.s32 @!p0 $0x1C05  }
0xb0: {  	[timem:s3], [sflag:s2] =	dma.local @!p0 [hbm:s0], s1  }
0xb1: {  	s0 =	simm.s32 @!p0 $0x5  }
0xb2: {  	_ =	swait.ge @!p0 [sflag:s0], s1  }
0xb3: {  	s1 =	ssub.s32 @!p0 $0x0, s1;
	[sflag:s0] =	ssyncset.done @!p0 $0x0  }
0xb4: {  	[sflag:s0] =	ssyncadd.s32 @!p0 s1  }
0xb5: {  	[bflag:$0x3] =	sbarrier.arrive $0xFFFF  }
0xb6: {  	_ =	shalt  }

</sc_bundles>
